<compile_context>
chip_gen: v7x
topology: tpu7x:2x2x1
jax: 0.10.2.dev20260603
libtpu: 0.0.44.dev20260713+nightly
codegen_flags: <defaults>
</compile_context>

<pallas_src>
import functools

import jax
import jax.numpy as jnp
from jax import lax
from jax.experimental import pallas as pl
from jax.experimental.pallas import tpu as pltpu
from jax.experimental.pallas import tpu_sc as plsc

_N = 100000
_E = 3200000
_NP = 102400
_NA = 100352
_CH = 80
_K = 10
_MACRO = _CH * _K
_DEGM = 2000
_NTILES = 16
_NW = 32

_B = 2048
_G = (_N + _B - 1) // _B


def _sc_mesh():
    return plsc.VectorSubcoreMesh(core_axis_name="c", subcore_axis_name="s")


@functools.partial(
    pl.kernel,
    out_type=jax.ShapeDtypeStruct((2, _NA), jnp.float32),
    mesh=_sc_mesh(),
    compiler_params=pltpu.CompilerParams(use_tc_tiling_on_sc=False),
    scratch_types=[
        pltpu.VMEM_SHARED((_NA,), jnp.float32),
        pltpu.VMEM((3, _DEGM), jnp.int32),
        pltpu.VMEM((_DEGM,), jnp.float32),
        pltpu.SemaphoreType.DMA,
        pltpu.SemaphoreType.DMA,
    ],
)
def _deg_kernel(row3_hbm, ones_hbm, zeros_hbm, out_hbm, acc, ridx, ones,
                isem, ssem):
    c = lax.axis_index("c")
    s = lax.axis_index("s")
    wid = c * _NTILES + s
    pltpu.sync_copy(ones_hbm, ones)
    zr = _NA // _NTILES
    pltpu.sync_copy(zeros_hbm, acc.at[pl.ds(s * zr, zr)])
    plsc.subcore_barrier()

    nm = _E // _DEGM // _NW
    base_m = wid * nm

    pltpu.async_copy(row3_hbm.at[base_m], ridx.at[0], isem)
    pltpu.async_copy(row3_hbm.at[base_m + 1], ridx.at[1], isem)

    @pl.loop(0, nm)
    def _loop(t):
        p = lax.rem(t, 3)
        p1 = lax.rem(t + 2, 3)
        pltpu.make_async_copy(row3_hbm.at[base_m], ridx.at[p], isem).wait()

        @pl.when(t >= 1)
        def _():
            pltpu.make_async_copy(ones, acc.at[ridx.at[p]], ssem).wait()

        @pl.when(t + 2 < nm)
        def _():
            pltpu.async_copy(row3_hbm.at[base_m + t + 2], ridx.at[p1], isem)

        pltpu.async_copy(ones, acc.at[ridx.at[p]], ssem, add=True)

    pltpu.make_async_copy(ones, acc.at[ridx.at[0]], ssem).wait()
    plsc.subcore_barrier()
    pltpu.sync_copy(acc.at[pl.ds(s * zr, zr)], out_hbm.at[c, pl.ds(s * zr, zr)])


def _make_agg(edge_split):
    nm = (_E // _MACRO) // (_NW if edge_split else _NTILES)
    table_shape = (_NA, 16) if edge_split else (2, _NA, 16)

    @functools.partial(
        pl.kernel,
        out_type=jax.ShapeDtypeStruct((2, _NA, 16), jnp.float32),
        mesh=_sc_mesh(),
        compiler_params=pltpu.CompilerParams(use_tc_tiling_on_sc=False),
        scratch_types=[
            pltpu.VMEM_SHARED((_NA, 16), jnp.float32),
            pltpu.VMEM((3, _MACRO), jnp.int32),
            pltpu.VMEM((3, _MACRO), jnp.int32),
            pltpu.VMEM((2, _MACRO, 16), jnp.float32),
            pltpu.SemaphoreType.DMA,
            pltpu.SemaphoreType.DMA,
            pltpu.SemaphoreType.DMA,
        ],
    )
    def agg(table_hbm, row3_hbm, col3_hbm, zeros_hbm, out_hbm,
            acc, ridx, cidx, rows, isem, gsem, ssem):
        c = lax.axis_index("c")
        s = lax.axis_index("s")
        base_m = (c * _NTILES + s if edge_split else s) * nm
        tbl = table_hbm if edge_split else table_hbm.at[c]

        zr = _NA // _NTILES
        pltpu.sync_copy(zeros_hbm, acc.at[pl.ds(s * zr, zr)])
        plsc.subcore_barrier()

        pltpu.async_copy(row3_hbm.at[base_m], ridx.at[0], isem)
        pltpu.async_copy(col3_hbm.at[base_m], cidx.at[0], isem)
        pltpu.async_copy(row3_hbm.at[base_m + 1], ridx.at[1], isem)
        pltpu.async_copy(col3_hbm.at[base_m + 1], cidx.at[1], isem)

        @pl.loop(0, nm)
        def _loop(t):
            p = lax.rem(t, 3)
            p1 = lax.rem(t + 2, 3)
            p2 = lax.rem(t, 2)
            pltpu.make_async_copy(row3_hbm.at[base_m], ridx.at[p], isem).wait()
            pltpu.make_async_copy(col3_hbm.at[base_m], cidx.at[p], isem).wait()
            gc = pltpu.async_copy(tbl.at[ridx.at[p]], rows.at[p2], gsem)

            @pl.when(t >= 1)
            def _():
                pltpu.make_async_copy(zeros_hbm, rows.at[0], ssem).wait()

            @pl.when(t + 2 < nm)
            def _():
                pltpu.async_copy(row3_hbm.at[base_m + t + 2], ridx.at[p1], isem)
                pltpu.async_copy(col3_hbm.at[base_m + t + 2], cidx.at[p1], isem)

            gc.wait()
            pltpu.async_copy(rows.at[p2], acc.at[cidx.at[p]], ssem, add=True)

        pltpu.make_async_copy(zeros_hbm, rows.at[0], ssem).wait()

        plsc.subcore_barrier()
        pltpu.sync_copy(acc.at[pl.ds(s * zr, zr)],
                        out_hbm.at[c, pl.ds(s * zr, zr)])

    return agg


_agg_edge_split = _make_agg(True)


_B8 = _B // 8
_N8 = _NA // 8


def _dis_pk(deg_ref, r_ref):
    d8 = deg_ref[0] + deg_ref[1] + 1.0
    return jnp.dot(lax.rsqrt(d8), r_ref[...],
                   preferred_element_type=jnp.float32)


def _tc1a_body(x_ref, w_ref, h1_ref):
    h = jnp.dot(x_ref[:, 0, :], w_ref[0],
                preferred_element_type=jnp.float32)
    for i in range(1, 8):
        h += jnp.dot(x_ref[:, i, :], w_ref[i],
                     preferred_element_type=jnp.float32)
    h1_ref[...] = h


def _tc1a(x3, W1big):
    return pl.pallas_call(
        _tc1a_body,
        grid=(_G,),
        in_specs=[
            pl.BlockSpec((_B8, 8, 128), lambda i: (i, 0, 0)),
            pl.BlockSpec((8, 128, 128), lambda i: (0, 0, 0)),
        ],
        out_specs=pl.BlockSpec((_B8, 128), lambda i: (i, 0)),
        out_shape=jax.ShapeDtypeStruct((_N8, 128), jnp.float32),
    )(x3, W1big)


def _tc1b_body(h1_ref, deg_ref, r_ref, y1_ref):
    y1_ref[...] = h1_ref[...] * _dis_pk(deg_ref, r_ref)


def _tc1b(h1_pk, deg_v, R):
    return pl.pallas_call(
        _tc1b_body,
        grid=(_G,),
        in_specs=[
            pl.BlockSpec((_B8, 128), lambda i: (i, 0)),
            pl.BlockSpec((2, _B8, 8), lambda i: (0, i, 0)),
            pl.BlockSpec((8, 128), lambda i: (0, 0)),
        ],
        out_specs=pl.BlockSpec((_B8, 128), lambda i: (i, 0)),
        out_shape=jax.ShapeDtypeStruct((_N8, 128), jnp.float32),
    )(h1_pk, deg_v, R)


def _tc2_body(ag_ref, y1_ref, deg_ref, r_ref, b1_ref, g_ref):
    dis = _dis_pk(deg_ref, r_ref)
    h = jnp.maximum(dis * (ag_ref[0] + ag_ref[1] + y1_ref[...]) + b1_ref[...],
                    0.0)
    g_ref[...] = dis * h


def _tc2(agg1_v, y1_pk, deg_v, R, b1_p):
    return pl.pallas_call(
        _tc2_body,
        grid=(_G,),
        in_specs=[
            pl.BlockSpec((2, _B8, 128), lambda i: (0, i, 0)),
            pl.BlockSpec((_B8, 128), lambda i: (i, 0)),
            pl.BlockSpec((2, _B8, 8), lambda i: (0, i, 0)),
            pl.BlockSpec((8, 128), lambda i: (0, 0)),
            pl.BlockSpec((1, 128), lambda i: (0, 0)),
        ],
        out_specs=pl.BlockSpec((_B8, 128), lambda i: (i, 0)),
        out_shape=jax.ShapeDtypeStruct((_N8, 128), jnp.float32),
    )(agg1_v, y1_pk, deg_v, R, b1_p)


def _tc3_body(ag_ref, g_ref, deg_ref, r_ref, w2_ref, b2_ref, s_ref,
              oa_ref, ob_ref):
    dis = _dis_pk(deg_ref, r_ref)
    s2 = dis * (ag_ref[0] + ag_ref[1] + g_ref[...])
    za = jnp.dot(s2, w2_ref[0], preferred_element_type=jnp.float32) + b2_ref[0]
    zb = jnp.dot(s2, w2_ref[1], preferred_element_type=jnp.float32) + b2_ref[1]
    m8 = jnp.max(jnp.maximum(za, zb), axis=1, keepdims=True)
    ea = jnp.exp(za - m8)
    eb = jnp.exp(zb - m8)
    se = jnp.dot(ea + eb, s_ref[...], preferred_element_type=jnp.float32)
    lse = m8 + jnp.log(se)
    oa_ref[...] = za - lse
    ob_ref[...] = zb - lse


def _tc3(agg2_v, g_pk, deg_v, R, W2big, b2_p, S):
    return pl.pallas_call(
        _tc3_body,
        grid=(_G,),
        in_specs=[
            pl.BlockSpec((2, _B8, 128), lambda i: (0, i, 0)),
            pl.BlockSpec((_B8, 128), lambda i: (i, 0)),
            pl.BlockSpec((2, _B8, 8), lambda i: (0, i, 0)),
            pl.BlockSpec((8, 128), lambda i: (0, 0)),
            pl.BlockSpec((2, 128, 128), lambda i: (0, 0, 0)),
            pl.BlockSpec((2, 1, 128), lambda i: (0, 0, 0)),
            pl.BlockSpec((128, 128), lambda i: (0, 0)),
        ],
        out_specs=[
            pl.BlockSpec((_B8, 128), lambda i: (i, 0)),
            pl.BlockSpec((_B8, 128), lambda i: (i, 0)),
        ],
        out_shape=[
            jax.ShapeDtypeStruct((_N8, 128), jnp.float32),
            jax.ShapeDtypeStruct((_N8, 128), jnp.float32),
        ],
    )(agg2_v, g_pk, deg_v, R, W2big, b2_p, S)


def kernel(x, edge_index, W1, b1, W2, b2):
    row3 = edge_index[0].astype(jnp.int32).reshape(-1, _MACRO)
    col3 = edge_index[1].astype(jnp.int32).reshape(-1, _MACRO)
    ones1 = jnp.ones((_DEGM,), jnp.float32)
    zeros1 = jnp.zeros((_NA // _NTILES,), jnp.float32)
    zeros_n16 = jnp.zeros((_NA // _NTILES, 16), jnp.float32)

    eye8 = jnp.eye(8, dtype=jnp.float32)
    W1big = jnp.kron(eye8, W1).reshape(8, 128, 128)
    W2big = jnp.stack([jnp.kron(eye8, W2[:, :16]),
                       jnp.kron(eye8, W2[:, 16:])])
    S = jnp.kron(eye8, jnp.ones((16, 16), jnp.float32))
    b1_p = jnp.tile(b1, 8)[None]
    b2_p = jnp.stack([jnp.tile(b2[:16], 8)[None],
                      jnp.tile(b2[16:], 8)[None]])
    R = jnp.repeat(jnp.eye(8, dtype=jnp.float32), 16, axis=1)

    x3 = x.reshape(-1, 8, 128)

    rowd = edge_index[0].astype(jnp.int32).reshape(-1, _DEGM)
    deg = _deg_kernel(rowd, ones1, zeros1)
    deg_v = deg.reshape(2, _N8, 8)
    h1_pk = _tc1a(x3, W1big)
    y1_pk = _tc1b(h1_pk, deg_v, R)
    agg1 = _agg_edge_split(y1_pk.reshape(_NA, 16), row3, col3, zeros_n16)
    g_pk = _tc2(agg1.reshape(2, _N8, 128), y1_pk, deg_v, R, b1_p)
    agg2 = _agg_edge_split(g_pk.reshape(_NA, 16), row3, col3, zeros_n16)
    oa, ob = _tc3(agg2.reshape(2, _N8, 128), g_pk, deg_v, R, W2big, b2_p, S)
    return jnp.concatenate([oa.reshape(_NA, 16)[:_N],
                            ob.reshape(_NA, 16)[:_N]], axis=1)

# --- scband reference (transcript-rebuilt; emitter-appended) ---
"""Pipeline reference for scband-gcn-65876208386063 (READ-ONLY COPY).

The authoritative reference and input builder live on the scoring server;
editing this copy changes nothing except your own understanding.
"""

import jax, jax.numpy as jnp
import numpy as np

N = 100000
E = 3200000
D_IN = 128
D_HID = 16
D_OUT = 32


def setup_inputs(seed: int = 0) -> dict:
    key = jax.random.key(seed)
    k1, k2, k3, k4 = jax.random.split(key, 4)
    x = jax.random.normal(k1, (N, D_IN), dtype=jnp.float32)
    edge_index = jax.random.randint(k2, (2, E), 0, N)
    W1 = jax.random.normal(k3, (D_IN, D_HID), dtype=jnp.float32) * (1.0 / np.sqrt(D_IN))
    b1 = jnp.zeros((D_HID,), dtype=jnp.float32)
    W2 = jax.random.normal(k4, (D_HID, D_OUT), dtype=jnp.float32) * (1.0 / np.sqrt(D_HID))
    b2 = jnp.zeros((D_OUT,), dtype=jnp.float32)
    return {"x": x, "edge_index": edge_index, "W1": W1, "b1": b1, "W2": W2, "b2": b2}


def _gcn_conv(x, edge_index, W, b):
    n = x.shape[0]
    loops = jnp.arange(n, dtype=edge_index.dtype)
    row = jnp.concatenate([edge_index[0], loops])  # source (j)
    col = jnp.concatenate([edge_index[1], loops])  # target (i)
    x = x @ W
    deg = jnp.zeros((n,), dtype=x.dtype).at[row].add(1.0)
    deg_inv_sqrt = jnp.where(deg > 0, 1.0 / jnp.sqrt(jnp.maximum(deg, 1e-12)), 0.0)
    norm = deg_inv_sqrt[row] * deg_inv_sqrt[col]
    msg = norm[:, None] * jnp.take(x, row, axis=0)
    out = jnp.zeros((n, x.shape[1]), dtype=x.dtype).at[col].add(msg)
    return out + b


def reference(x, edge_index, W1, b1, W2, b2):
    h = _gcn_conv(x, edge_index, W1, b1)
    h = jax.nn.relu(h)
    # dropout is identity in eval mode (training=False)
    out = _gcn_conv(h, edge_index, W2, b2)
    return jax.nn.log_softmax(out, axis=1)

if __name__ == "__main__":
    import jax
    _d = setup_inputs()
    print(jax.jit(kernel)(*tuple(_d.values())))

</pallas_src>

<mosaic_0001>
#map = affine_map<(d0, d1) -> (0, 0)>
#map1 = affine_map<(d0, d1) -> (0, 0, 0)>
module attributes {stable_mosaic.version = 14 : i64} {
  func.func @agg(%arg0: i32, %arg1: i32, %arg2: memref<100352x16xf32, #tpu.memory_space<hbm>>, %arg3: memref<4000x800xi32, #tpu.memory_space<hbm>>, %arg4: memref<4000x800xi32, #tpu.memory_space<hbm>>, %arg5: memref<6272x16xf32, #tpu.memory_space<hbm>>, %arg6: memref<2x100352x16xf32, #tpu.memory_space<hbm>>, %arg7: memref<100352x16xf32, #tpu.memory_space<vmem_shared>>, %arg8: memref<3x800xi32, #tpu.memory_space<vmem>>, %arg9: memref<3x800xi32, #tpu.memory_space<vmem>>, %arg10: memref<2x800x16xf32, #tpu.memory_space<vmem>>, %arg11: memref<!tpu.dma_semaphore, #tpu.memory_space<semaphore_mem>>, %arg12: memref<!tpu.dma_semaphore, #tpu.memory_space<semaphore_mem>>, %arg13: memref<!tpu.dma_semaphore, #tpu.memory_space<semaphore_mem>>) attributes {dimension_semantics = [#tpu.dimension_semantics<core_parallel>, #tpu.dimension_semantics<subcore_parallel>], iteration_bounds = array<i64: 2, 16>, scalar_prefetch = 0 : i64, scratch_operands = 7 : i64, tpu.core_type = #tpu.core_type<sc_vector_subcore>, window_params = [{transform_indices = #map}, {transform_indices = #map}, {transform_indices = #map}, {transform_indices = #map}, {transform_indices = #map1}]} {
    %mul3A = arith.constant 16 : i32
    %mul3A_0 = arith.muli %arg0, %mul3A : i32
    %add3A = arith.addi %mul3A_0, %arg1 : i32
    %mul3A_1 = arith.constant 125 : i32
    %mul3A_2 = arith.muli %add3A, %mul3A_1 : i32
    %mul3A_3 = arith.constant 6272 : i32
    %mul3A_4 = arith.muli %arg1, %mul3A_3 : i32
    "tpu.region"() ({
      %run_scoped3A = tpu.sem_alloc : memref<!tpu.dma_semaphore, #tpu.memory_space<semaphore_mem>>
      %dma_start3A_77 = arith.constant 0 : i32
      %dma_start3A_78 = tpu.memref_slice %arg7[%mul3A_4, %dma_start3A_77] : memref<100352x16xf32, #tpu.memory_space<vmem_shared>> -> memref<6272x16xf32, #tpu.memory_space<vmem_shared>>
      tpu.enqueue_dma source(%arg5 : memref<6272x16xf32, #tpu.memory_space<hbm>>) target(%dma_start3A_78 : memref<6272x16xf32, #tpu.memory_space<vmem_shared>>) target_semaphore(%run_scoped3A : memref<!tpu.dma_semaphore, #tpu.memory_space<semaphore_mem>>)
      %dma_wait3A_79 = arith.constant 0 : i32
      %dma_wait3A_80 = tpu.memref_slice %arg7[%mul3A_4, %dma_wait3A_79] : memref<100352x16xf32, #tpu.memory_space<vmem_shared>> -> memref<6272x16xf32, #tpu.memory_space<vmem_shared>>
      tpu.wait_dma2 semaphore(%run_scoped3A : memref<!tpu.dma_semaphore, #tpu.memory_space<semaphore_mem>>) src(%arg5 : memref<6272x16xf32, #tpu.memory_space<hbm>>) dst(%dma_wait3A_80 : memref<6272x16xf32, #tpu.memory_space<vmem_shared>>)
      tpu.yield
    }) : () -> ()
    %barrier3A = arith.constant 0 : index
    tpu.barrier barrier_id(%barrier3A)
    %dma_start3A = arith.constant 0 : i32
    %dma_start3A_5 = arith.constant 0 : i32
    %dma_start3A_6 = tpu.memref_slice %arg8[%dma_start3A, %dma_start3A_5] : memref<3x800xi32, #tpu.memory_space<vmem>> -> memref<1x800xi32, #tpu.memory_space<vmem>>
    %dma_start3A_7 = tpu.memref_squeeze %dma_start3A_6 : memref<1x800xi32, #tpu.memory_space<vmem>> -> memref<800xi32, #tpu.memory_space<vmem>>
    %dma_start3A_8 = arith.constant 0 : i32
    %dma_start3A_9 = tpu.memref_slice %arg3[%mul3A_2, %dma_start3A_8] : memref<4000x800xi32, #tpu.memory_space<hbm>> -> memref<1x800xi32, #tpu.memory_space<hbm>>
    %dma_start3A_10 = tpu.memref_squeeze %dma_start3A_9 : memref<1x800xi32, #tpu.memory_space<hbm>> -> memref<800xi32, #tpu.memory_space<hbm>>
    %dma_start3A_11 = arith.constant 0 : i32
    %dma_start3A_12 = tpu.memref_slice %arg8[%dma_start3A, %dma_start3A_11] : memref<3x800xi32, #tpu.memory_space<vmem>> -> memref<1x800xi32, #tpu.memory_space<vmem>>
    %dma_start3A_13 = tpu.memref_squeeze %dma_start3A_12 : memref<1x800xi32, #tpu.memory_space<vmem>> -> memref<800xi32, #tpu.memory_space<vmem>>
    %dma_start3A_14 = arith.constant 0 : i32
    %dma_start3A_15 = tpu.memref_slice %arg3[%mul3A_2, %dma_start3A_14] : memref<4000x800xi32, #tpu.memory_space<hbm>> -> memref<1x800xi32, #tpu.memory_space<hbm>>
    %dma_start3A_16 = tpu.memref_squeeze %dma_start3A_15 : memref<1x800xi32, #tpu.memory_space<hbm>> -> memref<800xi32, #tpu.memory_space<hbm>>
    tpu.enqueue_dma source(%dma_start3A_16 : memref<800xi32, #tpu.memory_space<hbm>>) target(%dma_start3A_13 : memref<800xi32, #tpu.memory_space<vmem>>) target_semaphore(%arg11 : memref<!tpu.dma_semaphore, #tpu.memory_space<semaphore_mem>>)
    %dma_start3A_17 = arith.constant 0 : i32
    %dma_start3A_18 = arith.constant 0 : i32
    %dma_start3A_19 = tpu.memref_slice %arg9[%dma_start3A_17, %dma_start3A_18] : memref<3x800xi32, #tpu.memory_space<vmem>> -> memref<1x800xi32, #tpu.memory_space<vmem>>
    %dma_start3A_20 = tpu.memref_squeeze %dma_start3A_19 : memref<1x800xi32, #tpu.memory_space<vmem>> -> memref<800xi32, #tpu.memory_space<vmem>>
    %dma_start3A_21 = arith.constant 0 : i32
    %dma_start3A_22 = tpu.memref_slice %arg4[%mul3A_2, %dma_start3A_21] : memref<4000x800xi32, #tpu.memory_space<hbm>> -> memref<1x800xi32, #tpu.memory_space<hbm>>
    %dma_start3A_23 = tpu.memref_squeeze %dma_start3A_22 : memref<1x800xi32, #tpu.memory_space<hbm>> -> memref<800xi32, #tpu.memory_space<hbm>>
    %dma_start3A_24 = arith.constant 0 : i32
    %dma_start3A_25 = tpu.memref_slice %arg9[%dma_start3A_17, %dma_start3A_24] : memref<3x800xi32, #tpu.memory_space<vmem>> -> memref<1x800xi32, #tpu.memory_space<vmem>>
    %dma_start3A_26 = tpu.memref_squeeze %dma_start3A_25 : memref<1x800xi32, #tpu.memory_space<vmem>> -> memref<800xi32, #tpu.memory_space<vmem>>
    %dma_start3A_27 = arith.constant 0 : i32
    %dma_start3A_28 = tpu.memref_slice %arg4[%mul3A_2, %dma_start3A_27] : memref<4000x800xi32, #tpu.memory_space<hbm>> -> memref<1x800xi32, #tpu.memory_space<hbm>>
    %dma_start3A_29 = tpu.memref_squeeze %dma_start3A_28 : memref<1x800xi32, #tpu.memory_space<hbm>> -> memref<800xi32, #tpu.memory_space<hbm>>
    tpu.enqueue_dma source(%dma_start3A_29 : memref<800xi32, #tpu.memory_space<hbm>>) target(%dma_start3A_26 : memref<800xi32, #tpu.memory_space<vmem>>) target_semaphore(%arg11 : memref<!tpu.dma_semaphore, #tpu.memory_space<semaphore_mem>>)
    %add3A_30 = arith.constant 1 : i32
    %add3A_31 = arith.addi %mul3A_2, %add3A_30 : i32
    %dma_start3A_32 = arith.constant 1 : i32
    %dma_start3A_33 = arith.constant 0 : i32
    %dma_start3A_34 = tpu.memref_slice %arg8[%dma_start3A_32, %dma_start3A_33] : memref<3x800xi32, #tpu.memory_space<vmem>> -> memref<1x800xi32, #tpu.memory_space<vmem>>
    %dma_start3A_35 = tpu.memref_squeeze %dma_start3A_34 : memref<1x800xi32, #tpu.memory_space<vmem>> -> memref<800xi32, #tpu.memory_space<vmem>>
    %dma_start3A_36 = arith.constant 0 : i32
    %dma_start3A_37 = tpu.memref_slice %arg3[%add3A_31, %dma_start3A_36] : memref<4000x800xi32, #tpu.memory_space<hbm>> -> memref<1x800xi32, #tpu.memory_space<hbm>>
    %dma_start3A_38 = tpu.memref_squeeze %dma_start3A_37 : memref<1x800xi32, #tpu.memory_space<hbm>> -> memref<800xi32, #tpu.memory_space<hbm>>
    %dma_start3A_39 = arith.constant 0 : i32
    %dma_start3A_40 = tpu.memref_slice %arg8[%dma_start3A_32, %dma_start3A_39] : memref<3x800xi32, #tpu.memory_space<vmem>> -> memref<1x800xi32, #tpu.memory_space<vmem>>
    %dma_start3A_41 = tpu.memref_squeeze %dma_start3A_40 : memref<1x800xi32, #tpu.memory_space<vmem>> -> memref<800xi32, #tpu.memory_space<vmem>>
    %dma_start3A_42 = arith.constant 0 : i32
    %dma_start3A_43 = tpu.memref_slice %arg3[%add3A_31, %dma_start3A_42] : memref<4000x800xi32, #tpu.memory_space<hbm>> -> memref<1x800xi32, #tpu.memory_space<hbm>>
    %dma_start3A_44 = tpu.memref_squeeze %dma_start3A_43 : memref<1x800xi32, #tpu.memory_space<hbm>> -> memref<800xi32, #tpu.memory_space<hbm>>
    tpu.enqueue_dma source(%dma_start3A_44 : memref<800xi32, #tpu.memory_space<hbm>>) target(%dma_start3A_41 : memref<800xi32, #tpu.memory_space<vmem>>) target_semaphore(%arg11 : memref<!tpu.dma_semaphore, #tpu.memory_space<semaphore_mem>>)
    %add3A_45 = arith.constant 1 : i32
    %add3A_46 = arith.addi %mul3A_2, %add3A_45 : i32
    %dma_start3A_47 = arith.constant 1 : i32
    %dma_start3A_48 = arith.constant 0 : i32
    %dma_start3A_49 = tpu.memref_slice %arg9[%dma_start3A_47, %dma_start3A_48] : memref<3x800xi32, #tpu.memory_space<vmem>> -> memref<1x800xi32, #tpu.memory_space<vmem>>
    %dma_start3A_50 = tpu.memref_squeeze %dma_start3A_49 : memref<1x800xi32, #tpu.memory_space<vmem>> -> memref<800xi32, #tpu.memory_space<vmem>>
    %dma_start3A_51 = arith.constant 0 : i32
    %dma_start3A_52 = tpu.memref_slice %arg4[%add3A_46, %dma_start3A_51] : memref<4000x800xi32, #tpu.memory_space<hbm>> -> memref<1x800xi32, #tpu.memory_space<hbm>>
    %dma_start3A_53 = tpu.memref_squeeze %dma_start3A_52 : memref<1x800xi32, #tpu.memory_space<hbm>> -> memref<800xi32, #tpu.memory_space<hbm>>
    %dma_start3A_54 = arith.constant 0 : i32
    %dma_start3A_55 = tpu.memref_slice %arg9[%dma_start3A_47, %dma_start3A_54] : memref<3x800xi32, #tpu.memory_space<vmem>> -> memref<1x800xi32, #tpu.memory_space<vmem>>
    %dma_start3A_56 = tpu.memref_squeeze %dma_start3A_55 : memref<1x800xi32, #tpu.memory_space<vmem>> -> memref<800xi32, #tpu.memory_space<vmem>>
    %dma_start3A_57 = arith.constant 0 : i32
    %dma_start3A_58 = tpu.memref_slice %arg4[%add3A_46, %dma_start3A_57] : memref<4000x800xi32, #tpu.memory_space<hbm>> -> memref<1x800xi32, #tpu.memory_space<hbm>>
    %dma_start3A_59 = tpu.memref_squeeze %dma_start3A_58 : memref<1x800xi32, #tpu.memory_space<hbm>> -> memref<800xi32, #tpu.memory_space<hbm>>
    tpu.enqueue_dma source(%dma_start3A_59 : memref<800xi32, #tpu.memory_space<hbm>>) target(%dma_start3A_56 : memref<800xi32, #tpu.memory_space<vmem>>) target_semaphore(%arg11 : memref<!tpu.dma_semaphore, #tpu.memory_space<semaphore_mem>>)
    %scan3A = arith.constant 0 : i32
    %scan3A_60 = arith.constant 125 : i32
    %scan3A_61 = arith.addi %scan3A, %scan3A_60 : i32
    %scan3A_62 = arith.constant 1 : i32
    scf.for %scan3A_77 = %scan3A to %scan3A_61 step %scan3A_62  : i32 {
      %mul3A_78 = arith.constant 1 : i32
      %mul3A_79 = arith.muli %scan3A_77, %mul3A_78 : i32
      %add3A_80 = arith.constant 0 : i32
      %add3A_81 = arith.addi %add3A_80, %mul3A_79 : i32
      %rem3A = arith.constant 3 : i32
      %rem3A_82 = arith.remsi %add3A_81, %rem3A : i32
      %add3A_83 = arith.constant 2 : i32
      %add3A_84 = arith.addi %add3A_81, %add3A_83 : i32
      %rem3A_85 = arith.constant 3 : i32
      %rem3A_86 = arith.remsi %add3A_84, %rem3A_85 : i32
      %rem3A_87 = arith.constant 2 : i32
      %rem3A_88 = arith.remsi %add3A_81, %rem3A_87 : i32
      %dma_wait3A_89 = arith.constant 0 : i32
      %dma_wait3A_90 = tpu.memref_slice %arg8[%rem3A_82, %dma_wait3A_89] : memref<3x800xi32, #tpu.memory_space<vmem>> -> memref<1x800xi32, #tpu.memory_space<vmem>>
      %dma_wait3A_91 = tpu.memref_squeeze %dma_wait3A_90 : memref<1x800xi32, #tpu.memory_space<vmem>> -> memref<800xi32, #tpu.memory_space<vmem>>
      %dma_wait3A_92 = arith.constant 0 : i32
      %dma_wait3A_93 = tpu.memref_slice %arg3[%mul3A_2, %dma_wait3A_92] : memref<4000x800xi32, #tpu.memory_space<hbm>> -> memref<1x800xi32, #tpu.memory_space<hbm>>
      %dma_wait3A_94 = tpu.memref_squeeze %dma_wait3A_93 : memref<1x800xi32, #tpu.memory_space<hbm>> -> memref<800xi32, #tpu.memory_space<hbm>>
      %dma_wait3A_95 = arith.constant 0 : i32
      %dma_wait3A_96 = tpu.memref_slice %arg8[%rem3A_82, %dma_wait3A_95] : memref<3x800xi32, #tpu.memory_space<vmem>> -> memref<1x800xi32, #tpu.memory_space<vmem>>
      %dma_wait3A_97 = tpu.memref_squeeze %dma_wait3A_96 : memref<1x800xi32, #tpu.memory_space<vmem>> -> memref<800xi32, #tpu.memory_space<vmem>>
      %dma_wait3A_98 = arith.constant 0 : i32
      %dma_wait3A_99 = tpu.memref_slice %arg3[%mul3A_2, %dma_wait3A_98] : memref<4000x800xi32, #tpu.memory_space<hbm>> -> memref<1x800xi32, #tpu.memory_space<hbm>>
      %dma_wait3A_100 = tpu.memref_squeeze %dma_wait3A_99 : memref<1x800xi32, #tpu.memory_space<hbm>> -> memref<800xi32, #tpu.memory_space<hbm>>
      tpu.wait_dma2 semaphore(%arg11 : memref<!tpu.dma_semaphore, #tpu.memory_space<semaphore_mem>>) src(%dma_wait3A_100 : memref<800xi32, #tpu.memory_space<hbm>>) dst(%dma_wait3A_97 : memref<800xi32, #tpu.memory_space<vmem>>)
      %dma_wait3A_101 = arith.constant 0 : i32
      %dma_wait3A_102 = tpu.memref_slice %arg9[%rem3A_82, %dma_wait3A_101] : memref<3x800xi32, #tpu.memory_space<vmem>> -> memref<1x800xi32, #tpu.memory_space<vmem>>
      %dma_wait3A_103 = tpu.memref_squeeze %dma_wait3A_102 : memref<1x800xi32, #tpu.memory_space<vmem>> -> memref<800xi32, #tpu.memory_space<vmem>>
      %dma_wait3A_104 = arith.constant 0 : i32
      %dma_wait3A_105 = tpu.memref_slice %arg4[%mul3A_2, %dma_wait3A_104] : memref<4000x800xi32, #tpu.memory_space<hbm>> -> memref<1x800xi32, #tpu.memory_space<hbm>>
      %dma_wait3A_106 = tpu.memref_squeeze %dma_wait3A_105 : memref<1x800xi32, #tpu.memory_space<hbm>> -> memref<800xi32, #tpu.memory_space<hbm>>
      %dma_wait3A_107 = arith.constant 0 : i32
      %dma_wait3A_108 = tpu.memref_slice %arg9[%rem3A_82, %dma_wait3A_107] : memref<3x800xi32, #tpu.memory_space<vmem>> -> memref<1x800xi32, #tpu.memory_space<vmem>>
      %dma_wait3A_109 = tpu.memref_squeeze %dma_wait3A_108 : memref<1x800xi32, #tpu.memory_space<vmem>> -> memref<800xi32, #tpu.memory_space<vmem>>
      %dma_wait3A_110 = arith.constant 0 : i32
      %dma_wait3A_111 = tpu.memref_slice %arg4[%mul3A_2, %dma_wait3A_110] : memref<4000x800xi32, #tpu.memory_space<hbm>> -> memref<1x800xi32, #tpu.memory_space<hbm>>
      %dma_wait3A_112 = tpu.memref_squeeze %dma_wait3A_111 : memref<1x800xi32, #tpu.memory_space<hbm>> -> memref<800xi32, #tpu.memory_space<hbm>>
      tpu.wait_dma2 semaphore(%arg11 : memref<!tpu.dma_semaphore, #tpu.memory_space<semaphore_mem>>) src(%dma_wait3A_112 : memref<800xi32, #tpu.memory_space<hbm>>) dst(%dma_wait3A_109 : memref<800xi32, #tpu.memory_space<vmem>>)
      %dma_start3A_113 = arith.constant 0 : i32
      %dma_start3A_114 = arith.constant 0 : i32
      %dma_start3A_115 = tpu.memref_slice %arg10[%rem3A_88, %dma_start3A_113, %dma_start3A_114] : memref<2x800x16xf32, #tpu.memory_space<vmem>> -> memref<1x800x16xf32, #tpu.memory_space<vmem>>
      %dma_start3A_116 = tpu.memref_squeeze %dma_start3A_115 : memref<1x800x16xf32, #tpu.memory_space<vmem>> -> memref<800x16xf32, #tpu.memory_space<vmem>>
      %dma_start3A_117 = arith.constant 0 : i32
      %dma_start3A_118 = tpu.memref_slice %arg8[%rem3A_82, %dma_start3A_117] : memref<3x800xi32, #tpu.memory_space<vmem>> -> memref<1x800xi32, #tpu.memory_space<vmem>>
      %dma_start3A_119 = tpu.memref_squeeze %dma_start3A_118 : memref<1x800xi32, #tpu.memory_space<vmem>> -> memref<800xi32, #tpu.memory_space<vmem>>
      %dma_start3A_120 = arith.constant 0 : i32
      %dma_start3A_121 = arith.constant 0 : i32
      %dma_start3A_122 = tpu.memref_slice %arg2[%dma_start3A_120, %dma_start3A_121] : memref<100352x16xf32, #tpu.memory_space<hbm>> -> memref<100352x16xf32, #tpu.memory_space<hbm>>
      tpu.enqueue_indirect_dma source(%dma_start3A_122 : memref<100352x16xf32, #tpu.memory_space<hbm>>) target(%dma_start3A_116 : memref<800x16xf32, #tpu.memory_space<vmem>>) offsets(%dma_start3A_119 : memref<800xi32, #tpu.memory_space<vmem>>) semaphore(%arg12 : memref<!tpu.dma_semaphore, #tpu.memory_space<semaphore_mem>>)
      %ge3A = arith.constant 1 : i32
      %ge3A_123 = arith.cmpi sge, %add3A_81, %ge3A : i32
      %convert_element_type3A = arith.extui %ge3A_123 : i1 to i32
      %cond3A = arith.constant 0 : i32
      %cond3A_124 = arith.cmpi ne, %convert_element_type3A, %cond3A : i32
      scf.if %cond3A_124 {
        %dma_wait3A_151 = arith.constant 0 : i32
        %dma_wait3A_152 = arith.constant 0 : i32
        %dma_wait3A_153 = arith.constant 0 : i32
        %dma_wait3A_154 = tpu.memref_slice %arg10[%dma_wait3A_151, %dma_wait3A_152, %dma_wait3A_153] : memref<2x800x16xf32, #tpu.memory_space<vmem>> -> memref<1x800x16xf32, #tpu.memory_space<vmem>>
        %dma_wait3A_155 = tpu.memref_squeeze %dma_wait3A_154 : memref<1x800x16xf32, #tpu.memory_space<vmem>> -> memref<800x16xf32, #tpu.memory_space<vmem>>
        %dma_wait3A_156 = arith.constant 0 : i32
        %dma_wait3A_157 = arith.constant 0 : i32
        %dma_wait3A_158 = tpu.memref_slice %arg10[%dma_wait3A_151, %dma_wait3A_156, %dma_wait3A_157] : memref<2x800x16xf32, #tpu.memory_space<vmem>> -> memref<1x800x16xf32, #tpu.memory_space<vmem>>
        %dma_wait3A_159 = tpu.memref_squeeze %dma_wait3A_158 : memref<1x800x16xf32, #tpu.memory_space<vmem>> -> memref<800x16xf32, #tpu.memory_space<vmem>>
        tpu.wait_dma2 semaphore(%arg13 : memref<!tpu.dma_semaphore, #tpu.memory_space<semaphore_mem>>) src(%arg5 : memref<6272x16xf32, #tpu.memory_space<hbm>>) dst(%dma_wait3A_159 : memref<800x16xf32, #tpu.memory_space<vmem>>)
      } else {
      }
      %add3A_125 = arith.constant 2 : i32
      %add3A_126 = arith.addi %add3A_81, %add3A_125 : i32
      %lt3A = arith.constant 125 : i32
      %lt3A_127 = arith.cmpi slt, %add3A_126, %lt3A : i32
      %convert_element_type3A_128 = arith.extui %lt3A_127 : i1 to i32
      %cond3A_129 = arith.constant 0 : i32
      %cond3A_130 = arith.cmpi ne, %convert_element_type3A_128, %cond3A_129 : i32
      scf.if %cond3A_130 {
        %add3A_151 = arith.addi %mul3A_2, %add3A_81 : i32
        %add3A_152 = arith.constant 2 : i32
        %add3A_153 = arith.addi %add3A_151, %add3A_152 : i32
        %dma_start3A_154 = arith.constant 0 : i32
        %dma_start3A_155 = tpu.memref_slice %arg8[%rem3A_86, %dma_start3A_154] : memref<3x800xi32, #tpu.memory_space<vmem>> -> memref<1x800xi32, #tpu.memory_space<vmem>>
        %dma_start3A_156 = tpu.memref_squeeze %dma_start3A_155 : memref<1x800xi32, #tpu.memory_space<vmem>> -> memref<800xi32, #tpu.memory_space<vmem>>
        %dma_start3A_157 = arith.constant 0 : i32
        %dma_start3A_158 = tpu.memref_slice %arg3[%add3A_153, %dma_start3A_157] : memref<4000x800xi32, #tpu.memory_space<hbm>> -> memref<1x800xi32, #tpu.memory_space<hbm>>
        %dma_start3A_159 = tpu.memref_squeeze %dma_start3A_158 : memref<1x800xi32, #tpu.memory_space<hbm>> -> memref<800xi32, #tpu.memory_space<hbm>>
        %dma_start3A_160 = arith.constant 0 : i32
        %dma_start3A_161 = tpu.memref_slice %arg8[%rem3A_86, %dma_start3A_160] : memref<3x800xi32, #tpu.memory_space<vmem>> -> memref<1x800xi32, #tpu.memory_space<vmem>>
        %dma_start3A_162 = tpu.memref_squeeze %dma_start3A_161 : memref<1x800xi32, #tpu.memory_space<vmem>> -> memref<800xi32, #tpu.memory_space<vmem>>
        %dma_start3A_163 = arith.constant 0 : i32
        %dma_start3A_164 = tpu.memref_slice %arg3[%add3A_153, %dma_start3A_163] : memref<4000x800xi32, #tpu.memory_space<hbm>> -> memref<1x800xi32, #tpu.memory_space<hbm>>
        %dma_start3A_165 = tpu.memref_squeeze %dma_start3A_164 : memref<1x800xi32, #tpu.memory_space<hbm>> -> memref<800xi32, #tpu.memory_space<hbm>>
        tpu.enqueue_dma source(%dma_start3A_165 : memref<800xi32, #tpu.memory_space<hbm>>) target(%dma_start3A_162 : memref<800xi32, #tpu.memory_space<vmem>>) target_semaphore(%arg11 : memref<!tpu.dma_semaphore, #tpu.memory_space<semaphore_mem>>)
        %add3A_166 = arith.addi %mul3A_2, %add3A_81 : i32
        %add3A_167 = arith.constant 2 : i32
        %add3A_168 = arith.addi %add3A_166, %add3A_167 : i32
        %dma_start3A_169 = arith.constant 0 : i32
        %dma_start3A_170 = tpu.memref_slice %arg9[%rem3A_86, %dma_start3A_169] : memref<3x800xi32, #tpu.memory_space<vmem>> -> memref<1x800xi32, #tpu.memory_space<vmem>>
        %dma_start3A_171 = tpu.memref_squeeze %dma_start3A_170 : memref<1x800xi32, #tpu.memory_space<vmem>> -> memref<800xi32, #tpu.memory_space<vmem>>
        %dma_start3A_172 = arith.constant 0 : i32
        %dma_start3A_173 = tpu.memref_slice %arg4[%add3A_168, %dma_start3A_172] : memref<4000x800xi32, #tpu.memory_space<hbm>> -> memref<1x800xi32, #tpu.memory_space<hbm>>
        %dma_start3A_174 = tpu.memref_squeeze %dma_start3A_173 : memref<1x800xi32, #tpu.memory_space<hbm>> -> memref<800xi32, #tpu.memory_space<hbm>>
        %dma_start3A_175 = arith.constant 0 : i32
        %dma_start3A_176 = tpu.memref_slice %arg9[%rem3A_86, %dma_start3A_175] : memref<3x800xi32, #tpu.memory_space<vmem>> -> memref<1x800xi32, #tpu.memory_space<vmem>>
        %dma_start3A_177 = tpu.memref_squeeze %dma_start3A_176 : memref<1x800xi32, #tpu.memory_space<vmem>> -> memref<800xi32, #tpu.memory_space<vmem>>
        %dma_start3A_178 = arith.constant 0 : i32
        %dma_start3A_179 = tpu.memref_slice %arg4[%add3A_168, %dma_start3A_178] : memref<4000x800xi32, #tpu.memory_space<hbm>> -> memref<1x800xi32, #tpu.memory_space<hbm>>
        %dma_start3A_180 = tpu.memref_squeeze %dma_start3A_179 : memref<1x800xi32, #tpu.memory_space<hbm>> -> memref<800xi32, #tpu.memory_space<hbm>>
        tpu.enqueue_dma source(%dma_start3A_180 : memref<800xi32, #tpu.memory_space<hbm>>) target(%dma_start3A_177 : memref<800xi32, #tpu.memory_space<vmem>>) target_semaphore(%arg11 : memref<!tpu.dma_semaphore, #tpu.memory_space<semaphore_mem>>)
      } else {
      }
      %dma_wait3A_131 = arith.constant 0 : i32
      %dma_wait3A_132 = arith.constant 0 : i32
      %dma_wait3A_133 = tpu.memref_slice %arg10[%rem3A_88, %dma_wait3A_131, %dma_wait3A_132] : memref<2x800x16xf32, #tpu.memory_space<vmem>> -> memref<1x800x16xf32, #tpu.memory_space<vmem>>
      %dma_wait3A_134 = tpu.memref_squeeze %dma_wait3A_133 : memref<1x800x16xf32, #tpu.memory_space<vmem>> -> memref<800x16xf32, #tpu.memory_space<vmem>>
      %dma_wait3A_135 = arith.constant 0 : i32
      %dma_wait3A_136 = tpu.memref_slice %arg8[%rem3A_82, %dma_wait3A_135] : memref<3x800xi32, #tpu.memory_space<vmem>> -> memref<1x800xi32, #tpu.memory_space<vmem>>
      %dma_wait3A_137 = tpu.memref_squeeze %dma_wait3A_136 : memref<1x800xi32, #tpu.memory_space<vmem>> -> memref<800xi32, #tpu.memory_space<vmem>>
      %dma_wait3A_138 = arith.constant 0 : i32
      %dma_wait3A_139 = arith.constant 0 : i32
      %dma_wait3A_140 = tpu.memref_slice %arg2[%dma_wait3A_138, %dma_wait3A_139] : memref<100352x16xf32, #tpu.memory_space<hbm>> -> memref<100352x16xf32, #tpu.memory_space<hbm>>
      tpu.wait_indirect_dma semaphore(%arg12 : memref<!tpu.dma_semaphore, #tpu.memory_space<semaphore_mem>>) src(%dma_wait3A_140 : memref<100352x16xf32, #tpu.memory_space<hbm>>) dst(%dma_wait3A_134 : memref<800x16xf32, #tpu.memory_space<vmem>>)
      %dma_start3A_141 = arith.constant 0 : i32
      %dma_start3A_142 = arith.constant 0 : i32
      %dma_start3A_143 = tpu.memref_slice %arg10[%rem3A_88, %dma_start3A_141, %dma_start3A_142] : memref<2x800x16xf32, #tpu.memory_space<vmem>> -> memref<1x800x16xf32, #tpu.memory_space<vmem>>
      %dma_start3A_144 = tpu.memref_squeeze %dma_start3A_143 : memref<1x800x16xf32, #tpu.memory_space<vmem>> -> memref<800x16xf32, #tpu.memory_space<vmem>>
      %dma_start3A_145 = arith.constant 0 : i32
      %dma_start3A_146 = tpu.memref_slice %arg9[%rem3A_82, %dma_start3A_145] : memref<3x800xi32, #tpu.memory_space<vmem>> -> memref<1x800xi32, #tpu.memory_space<vmem>>
      %dma_start3A_147 = tpu.memref_squeeze %dma_start3A_146 : memref<1x800xi32, #tpu.memory_space<vmem>> -> memref<800xi32, #tpu.memory_space<vmem>>
      %dma_start3A_148 = arith.constant 0 : i32
      %dma_start3A_149 = arith.constant 0 : i32
      %dma_start3A_150 = tpu.memref_slice %arg7[%dma_start3A_148, %dma_start3A_149] : memref<100352x16xf32, #tpu.memory_space<vmem_shared>> -> memref<100352x16xf32, #tpu.memory_space<vmem_shared>>
      tpu.enqueue_indirect_dma source(%dma_start3A_144 : memref<800x16xf32, #tpu.memory_space<vmem>>) target(%dma_start3A_150 : memref<100352x16xf32, #tpu.memory_space<vmem_shared>>) offsets(%dma_start3A_147 : memref<800xi32, #tpu.memory_space<vmem>>) semaphore(%arg13 : memref<!tpu.dma_semaphore, #tpu.memory_space<semaphore_mem>>) {add = true}
    }
    %scan3A_63 = arith.constant 125 : i32
    %dma_wait3A = arith.constant 0 : i32
    %dma_wait3A_64 = arith.constant 0 : i32
    %dma_wait3A_65 = arith.constant 0 : i32
    %dma_wait3A_66 = tpu.memref_slice %arg10[%dma_wait3A, %dma_wait3A_64, %dma_wait3A_65] : memref<2x800x16xf32, #tpu.memory_space<vmem>> -> memref<1x800x16xf32, #tpu.memory_space<vmem>>
    %dma_wait3A_67 = tpu.memref_squeeze %dma_wait3A_66 : memref<1x800x16xf32, #tpu.memory_space<vmem>> -> memref<800x16xf32, #tpu.memory_space<vmem>>
    %dma_wait3A_68 = arith.constant 0 : i32
    %dma_wait3A_69 = arith.constant 0 : i32
    %dma_wait3A_70 = tpu.memref_slice %arg10[%dma_wait3A, %dma_wait3A_68, %dma_wait3A_69] : memref<2x800x16xf32, #tpu.memory_space<vmem>> -> memref<1x800x16xf32, #tpu.memory_space<vmem>>
    %dma_wait3A_71 = tpu.memref_squeeze %dma_wait3A_70 : memref<1x800x16xf32, #tpu.memory_space<vmem>> -> memref<800x16xf32, #tpu.memory_space<vmem>>
    tpu.wait_dma2 semaphore(%arg13 : memref<!tpu.dma_semaphore, #tpu.memory_space<semaphore_mem>>) src(%arg5 : memref<6272x16xf32, #tpu.memory_space<hbm>>) dst(%dma_wait3A_71 : memref<800x16xf32, #tpu.memory_space<vmem>>)
    %barrier3A_72 = arith.constant 0 : index
    tpu.barrier barrier_id(%barrier3A_72)
    %mul3A_73 = arith.constant 6272 : i32
    %mul3A_74 = arith.muli %arg1, %mul3A_73 : i32
    %mul3A_75 = arith.constant 6272 : i32
    %mul3A_76 = arith.muli %arg1, %mul3A_75 : i32
    "tpu.region"() ({
      %run_scoped3A = tpu.sem_alloc : memref<!tpu.dma_semaphore, #tpu.memory_space<semaphore_mem>>
      %dma_start3A_77 = arith.constant 0 : i32
      %dma_start3A_78 = tpu.memref_slice %arg6[%arg0, %mul3A_76, %dma_start3A_77] : memref<2x100352x16xf32, #tpu.memory_space<hbm>> -> memref<1x6272x16xf32, #tpu.memory_space<hbm>>
      %dma_start3A_79 = tpu.memref_squeeze %dma_start3A_78 : memref<1x6272x16xf32, #tpu.memory_space<hbm>> -> memref<6272x16xf32, #tpu.memory_space<hbm>>
      %dma_start3A_80 = arith.constant 0 : i32
      %dma_start3A_81 = tpu.memref_slice %arg7[%mul3A_74, %dma_start3A_80] : memref<100352x16xf32, #tpu.memory_space<vmem_shared>> -> memref<6272x16xf32, #tpu.memory_space<vmem_shared>>
      tpu.enqueue_dma source(%dma_start3A_81 : memref<6272x16xf32, #tpu.memory_space<vmem_shared>>) target(%dma_start3A_79 : memref<6272x16xf32, #tpu.memory_space<hbm>>) target_semaphore(%run_scoped3A : memref<!tpu.dma_semaphore, #tpu.memory_space<semaphore_mem>>)
      %dma_wait3A_82 = arith.constant 0 : i32
      %dma_wait3A_83 = tpu.memref_slice %arg6[%arg0, %mul3A_76, %dma_wait3A_82] : memref<2x100352x16xf32, #tpu.memory_space<hbm>> -> memref<1x6272x16xf32, #tpu.memory_space<hbm>>
      %dma_wait3A_84 = tpu.memref_squeeze %dma_wait3A_83 : memref<1x6272x16xf32, #tpu.memory_space<hbm>> -> memref<6272x16xf32, #tpu.memory_space<hbm>>
      %dma_wait3A_85 = arith.constant 0 : i32
      %dma_wait3A_86 = tpu.memref_slice %arg7[%mul3A_74, %dma_wait3A_85] : memref<100352x16xf32, #tpu.memory_space<vmem_shared>> -> memref<6272x16xf32, #tpu.memory_space<vmem_shared>>
      tpu.wait_dma2 semaphore(%run_scoped3A : memref<!tpu.dma_semaphore, #tpu.memory_space<semaphore_mem>>) src(%dma_wait3A_86 : memref<6272x16xf32, #tpu.memory_space<vmem_shared>>) dst(%dma_wait3A_84 : memref<6272x16xf32, #tpu.memory_space<hbm>>)
      tpu.yield
    }) : () -> ()
    return
  }
}

#map = affine_map<(d0, d1) -> (0, 0)>
#map1 = affine_map<(d0, d1) -> (0, 0, 0)>
module attributes {stable_mosaic.version = 14 : i64} {
  func.func @agg(%arg0: i32, %arg1: i32, %arg2: memref<100352x16xf32, #tpu.memory_space<hbm>>, %arg3: memref<4000x800xi32, #tpu.memory_space<hbm>>, %arg4: memref<4000x800xi32, #tpu.memory_space<hbm>>, %arg5: memref<6272x16xf32, #tpu.memory_space<hbm>>, %arg6: memref<2x100352x16xf32, #tpu.memory_space<hbm>>, %arg7: memref<100352x16xf32, #tpu.memory_space<vmem_shared>>, %arg8: memref<3x800xi32, #tpu.memory_space<vmem>>, %arg9: memref<3x800xi32, #tpu.memory_space<vmem>>, %arg10: memref<2x800x16xf32, #tpu.memory_space<vmem>>, %arg11: memref<!tpu.dma_semaphore, #tpu.memory_space<semaphore_mem>>, %arg12: memref<!tpu.dma_semaphore, #tpu.memory_space<semaphore_mem>>, %arg13: memref<!tpu.dma_semaphore, #tpu.memory_space<semaphore_mem>>) attributes {dimension_semantics = [#tpu.dimension_semantics<core_parallel>, #tpu.dimension_semantics<subcore_parallel>], iteration_bounds = array<i64: 2, 16>, scalar_prefetch = 0 : i64, scratch_operands = 7 : i64, tpu.core_type = #tpu.core_type<sc_vector_subcore>, window_params = [{transform_indices = #map}, {transform_indices = #map}, {transform_indices = #map}, {transform_indices = #map}, {transform_indices = #map1}]} {
    %mul3A = arith.constant 16 : i32
    %mul3A_0 = arith.muli %arg0, %mul3A : i32
    %add3A = arith.addi %mul3A_0, %arg1 : i32
    %mul3A_1 = arith.constant 125 : i32
    %mul3A_2 = arith.muli %add3A, %mul3A_1 : i32
    %mul3A_3 = arith.constant 6272 : i32
    %mul3A_4 = arith.muli %arg1, %mul3A_3 : i32
    "tpu.region"() ({
      %run_scoped3A = tpu.sem_alloc : memref<!tpu.dma_semaphore, #tpu.memory_space<semaphore_mem>>
      %dma_start3A_77 = arith.constant 0 : i32
      %dma_start3A_78 = tpu.memref_slice %arg7[%mul3A_4, %dma_start3A_77] : memref<100352x16xf32, #tpu.memory_space<vmem_shared>> -> memref<6272x16xf32, #tpu.memory_space<vmem_shared>>
      tpu.enqueue_dma source(%arg5 : memref<6272x16xf32, #tpu.memory_space<hbm>>) target(%dma_start3A_78 : memref<6272x16xf32, #tpu.memory_space<vmem_shared>>) target_semaphore(%run_scoped3A : memref<!tpu.dma_semaphore, #tpu.memory_space<semaphore_mem>>)
      %dma_wait3A_79 = arith.constant 0 : i32
      %dma_wait3A_80 = tpu.memref_slice %arg7[%mul3A_4, %dma_wait3A_79] : memref<100352x16xf32, #tpu.memory_space<vmem_shared>> -> memref<6272x16xf32, #tpu.memory_space<vmem_shared>>
      tpu.wait_dma2 semaphore(%run_scoped3A : memref<!tpu.dma_semaphore, #tpu.memory_space<semaphore_mem>>) src(%arg5 : memref<6272x16xf32, #tpu.memory_space<hbm>>) dst(%dma_wait3A_80 : memref<6272x16xf32, #tpu.memory_space<vmem_shared>>)
      tpu.yield
    }) : () -> ()
    %barrier3A = arith.constant 0 : index
    tpu.barrier barrier_id(%barrier3A)
    %dma_start3A = arith.constant 0 : i32
    %dma_start3A_5 = arith.constant 0 : i32
    %dma_start3A_6 = tpu.memref_slice %arg8[%dma_start3A, %dma_start3A_5] : memref<3x800xi32, #tpu.memory_space<vmem>> -> memref<1x800xi32, #tpu.memory_space<vmem>>
    %dma_start3A_7 = tpu.memref_squeeze %dma_start3A_6 : memref<1x800xi32, #tpu.memory_space<vmem>> -> memref<800xi32, #tpu.memory_space<vmem>>
    %dma_start3A_8 = arith.constant 0 : i32
    %dma_start3A_9 = tpu.memref_slice %arg3[%mul3A_2, %dma_start3A_8] : memref<4000x800xi32, #tpu.memory_space<hbm>> -> memref<1x800xi32, #tpu.memory_space<hbm>>
    %dma_start3A_10 = tpu.memref_squeeze %dma_start3A_9 : memref<1x800xi32, #tpu.memory_space<hbm>> -> memref<800xi32, #tpu.memory_space<hbm>>
    %dma_start3A_11 = arith.constant 0 : i32
    %dma_start3A_12 = tpu.memref_slice %arg8[%dma_start3A, %dma_start3A_11] : memref<3x800xi32, #tpu.memory_space<vmem>> -> memref<1x800xi32, #tpu.memory_space<vmem>>
    %dma_start3A_13 = tpu.memref_squeeze %dma_start3A_12 : memref<1x800xi32, #tpu.memory_space<vmem>> -> memref<800xi32, #tpu.memory_space<vmem>>
    %dma_start3A_14 = arith.constant 0 : i32
    %dma_start3A_15 = tpu.memref_slice %arg3[%mul3A_2, %dma_start3A_14] : memref<4000x800xi32, #tpu.memory_space<hbm>> -> memref<1x800xi32, #tpu.memory_space<hbm>>
    %dma_start3A_16 = tpu.memref_squeeze %dma_start3A_15 : memref<1x800xi32, #tpu.memory_space<hbm>> -> memref<800xi32, #tpu.memory_space<hbm>>
    tpu.enqueue_dma source(%dma_start3A_16 : memref<800xi32, #tpu.memory_space<hbm>>) target(%dma_start3A_13 : memref<800xi32, #tpu.memory_space<vmem>>) target_semaphore(%arg11 : memref<!tpu.dma_semaphore, #tpu.memory_space<semaphore_mem>>)
    %dma_start3A_17 = arith.constant 0 : i32
    %dma_start3A_18 = arith.constant 0 : i32
    %dma_start3A_19 = tpu.memref_slice %arg9[%dma_start3A_17, %dma_start3A_18] : memref<3x800xi32, #tpu.memory_space<vmem>> -> memref<1x800xi32, #tpu.memory_space<vmem>>
    %dma_start3A_20 = tpu.memref_squeeze %dma_start3A_19 : memref<1x800xi32, #tpu.memory_space<vmem>> -> memref<800xi32, #tpu.memory_space<vmem>>
    %dma_start3A_21 = arith.constant 0 : i32
    %dma_start3A_22 = tpu.memref_slice %arg4[%mul3A_2, %dma_start3A_21] : memref<4000x800xi32, #tpu.memory_space<hbm>> -> memref<1x800xi32, #tpu.memory_space<hbm>>
    %dma_start3A_23 = tpu.memref_squeeze %dma_start3A_22 : memref<1x800xi32, #tpu.memory_space<hbm>> -> memref<800xi32, #tpu.memory_space<hbm>>
    %dma_start3A_24 = arith.constant 0 : i32
    %dma_start3A_25 = tpu.memref_slice %arg9[%dma_start3A_17, %dma_start3A_24] : memref<3x800xi32, #tpu.memory_space<vmem>> -> memref<1x800xi32, #tpu.memory_space<vmem>>
    %dma_start3A_26 = tpu.memref_squeeze %dma_start3A_25 : memref<1x800xi32, #tpu.memory_space<vmem>> -> memref<800xi32, #tpu.memory_space<vmem>>
    %dma_start3A_27 = arith.constant 0 : i32
    %dma_start3A_28 = tpu.memref_slice %arg4[%mul3A_2, %dma_start3A_27] : memref<4000x800xi32, #tpu.memory_space<hbm>> -> memref<1x800xi32, #tpu.memory_space<hbm>>
    %dma_start3A_29 = tpu.memref_squeeze %dma_start3A_28 : memref<1x800xi32, #tpu.memory_space<hbm>> -> memref<800xi32, #tpu.memory_space<hbm>>
    tpu.enqueue_dma source(%dma_start3A_29 : memref<800xi32, #tpu.memory_space<hbm>>) target(%dma_start3A_26 : memref<800xi32, #tpu.memory_space<vmem>>) target_semaphore(%arg11 : memref<!tpu.dma_semaphore, #tpu.memory_space<semaphore_mem>>)
    %add3A_30 = arith.constant 1 : i32
    %add3A_31 = arith.addi %mul3A_2, %add3A_30 : i32
    %dma_start3A_32 = arith.constant 1 : i32
    %dma_start3A_33 = arith.constant 0 : i32
    %dma_start3A_34 = tpu.memref_slice %arg8[%dma_start3A_32, %dma_start3A_33] : memref<3x800xi32, #tpu.memory_space<vmem>> -> memref<1x800xi32, #tpu.memory_space<vmem>>
    %dma_start3A_35 = tpu.memref_squeeze %dma_start3A_34 : memref<1x800xi32, #tpu.memory_space<vmem>> -> memref<800xi32, #tpu.memory_space<vmem>>
    %dma_start3A_36 = arith.constant 0 : i32
    %dma_start3A_37 = tpu.memref_slice %arg3[%add3A_31, %dma_start3A_36] : memref<4000x800xi32, #tpu.memory_space<hbm>> -> memref<1x800xi32, #tpu.memory_space<hbm>>
    %dma_start3A_38 = tpu.memref_squeeze %dma_start3A_37 : memref<1x800xi32, #tpu.memory_space<hbm>> -> memref<800xi32, #tpu.memory_space<hbm>>
    %dma_start3A_39 = arith.constant 0 : i32
    %dma_start3A_40 = tpu.memref_slice %arg8[%dma_start3A_32, %dma_start3A_39] : memref<3x800xi32, #tpu.memory_space<vmem>> -> memref<1x800xi32, #tpu.memory_space<vmem>>
    %dma_start3A_41 = tpu.memref_squeeze %dma_start3A_40 : memref<1x800xi32, #tpu.memory_space<vmem>> -> memref<800xi32, #tpu.memory_space<vmem>>
    %dma_start3A_42 = arith.constant 0 : i32
    %dma_start3A_43 = tpu.memref_slice %arg3[%add3A_31, %dma_start3A_42] : memref<4000x800xi32, #tpu.memory_space<hbm>> -> memref<1x800xi32, #tpu.memory_space<hbm>>
    %dma_start3A_44 = tpu.memref_squeeze %dma_start3A_43 : memref<1x800xi32, #tpu.memory_space<hbm>> -> memref<800xi32, #tpu.memory_space<hbm>>
    tpu.enqueue_dma source(%dma_start3A_44 : memref<800xi32, #tpu.memory_space<hbm>>) target(%dma_start3A_41 : memref<800xi32, #tpu.memory_space<vmem>>) target_semaphore(%arg11 : memref<!tpu.dma_semaphore, #tpu.memory_space<semaphore_mem>>)
    %add3A_45 = arith.constant 1 : i32
    %add3A_46 = arith.addi %mul3A_2, %add3A_45 : i32
    %dma_start3A_47 = arith.constant 1 : i32
    %dma_start3A_48 = arith.constant 0 : i32
    %dma_start3A_49 = tpu.memref_slice %arg9[%dma_start3A_47, %dma_start3A_48] : memref<3x800xi32, #tpu.memory_space<vmem>> -> memref<1x800xi32, #tpu.memory_space<vmem>>
    %dma_start3A_50 = tpu.memref_squeeze %dma_start3A_49 : memref<1x800xi32, #tpu.memory_space<vmem>> -> memref<800xi32, #tpu.memory_space<vmem>>
    %dma_start3A_51 = arith.constant 0 : i32
    %dma_start3A_52 = tpu.memref_slice %arg4[%add3A_46, %dma_start3A_51] : memref<4000x800xi32, #tpu.memory_space<hbm>> -> memref<1x800xi32, #tpu.memory_space<hbm>>
    %dma_start3A_53 = tpu.memref_squeeze %dma_start3A_52 : memref<1x800xi32, #tpu.memory_space<hbm>> -> memref<800xi32, #tpu.memory_space<hbm>>
    %dma_start3A_54 = arith.constant 0 : i32
    %dma_start3A_55 = tpu.memref_slice %arg9[%dma_start3A_47, %dma_start3A_54] : memref<3x800xi32, #tpu.memory_space<vmem>> -> memref<1x800xi32, #tpu.memory_space<vmem>>
    %dma_start3A_56 = tpu.memref_squeeze %dma_start3A_55 : memref<1x800xi32, #tpu.memory_space<vmem>> -> memref<800xi32, #tpu.memory_space<vmem>>
    %dma_start3A_57 = arith.constant 0 : i32
    %dma_start3A_58 = tpu.memref_slice %arg4[%add3A_46, %dma_start3A_57] : memref<4000x800xi32, #tpu.memory_space<hbm>> -> memref<1x800xi32, #tpu.memory_space<hbm>>
    %dma_start3A_59 = tpu.memref_squeeze %dma_start3A_58 : memref<1x800xi32, #tpu.memory_space<hbm>> -> memref<800xi32, #tpu.memory_space<hbm>>
    tpu.enqueue_dma source(%dma_start3A_59 : memref<800xi32, #tpu.memory_space<hbm>>) target(%dma_start3A_56 : memref<800xi32, #tpu.memory_space<vmem>>) target_semaphore(%arg11 : memref<!tpu.dma_semaphore, #tpu.memory_space<semaphore_mem>>)
    %scan3A = arith.constant 0 : i32
    %scan3A_60 = arith.constant 125 : i32
    %scan3A_61 = arith.addi %scan3A, %scan3A_60 : i32
    %scan3A_62 = arith.constant 1 : i32
    scf.for %scan3A_77 = %scan3A to %scan3A_61 step %scan3A_62  : i32 {
      %mul3A_78 = arith.constant 1 : i32
      %mul3A_79 = arith.muli %scan3A_77, %mul3A_78 : i32
      %add3A_80 = arith.constant 0 : i32
      %add3A_81 = arith.addi %add3A_80, %mul3A_79 : i32
      %rem3A = arith.constant 3 : i32
      %rem3A_82 = arith.remsi %add3A_81, %rem3A : i32
      %add3A_83 = arith.constant 2 : i32
      %add3A_84 = arith.addi %add3A_81, %add3A_83 : i32
      %rem3A_85 = arith.constant 3 : i32
      %rem3A_86 = arith.remsi %add3A_84, %rem3A_85 : i32
      %rem3A_87 = arith.constant 2 : i32
      %rem3A_88 = arith.remsi %add3A_81, %rem3A_87 : i32
      %dma_wait3A_89 = arith.constant 0 : i32
      %dma_wait3A_90 = tpu.memref_slice %arg8[%rem3A_82, %dma_wait3A_89] : memref<3x800xi32, #tpu.memory_space<vmem>> -> memref<1x800xi32, #tpu.memory_space<vmem>>
      %dma_wait3A_91 = tpu.memref_squeeze %dma_wait3A_90 : memref<1x800xi32, #tpu.memory_space<vmem>> -> memref<800xi32, #tpu.memory_space<vmem>>
      %dma_wait3A_92 = arith.constant 0 : i32
      %dma_wait3A_93 = tpu.memref_slice %arg3[%mul3A_2, %dma_wait3A_92] : memref<4000x800xi32, #tpu.memory_space<hbm>> -> memref<1x800xi32, #tpu.memory_space<hbm>>
      %dma_wait3A_94 = tpu.memref_squeeze %dma_wait3A_93 : memref<1x800xi32, #tpu.memory_space<hbm>> -> memref<800xi32, #tpu.memory_space<hbm>>
      %dma_wait3A_95 = arith.constant 0 : i32
      %dma_wait3A_96 = tpu.memref_slice %arg8[%rem3A_82, %dma_wait3A_95] : memref<3x800xi32, #tpu.memory_space<vmem>> -> memref<1x800xi32, #tpu.memory_space<vmem>>
      %dma_wait3A_97 = tpu.memref_squeeze %dma_wait3A_96 : memref<1x800xi32, #tpu.memory_space<vmem>> -> memref<800xi32, #tpu.memory_space<vmem>>
      %dma_wait3A_98 = arith.constant 0 : i32
      %dma_wait3A_99 = tpu.memref_slice %arg3[%mul3A_2, %dma_wait3A_98] : memref<4000x800xi32, #tpu.memory_space<hbm>> -> memref<1x800xi32, #tpu.memory_space<hbm>>
      %dma_wait3A_100 = tpu.memref_squeeze %dma_wait3A_99 : memref<1x800xi32, #tpu.memory_space<hbm>> -> memref<800xi32, #tpu.memory_space<hbm>>
      tpu.wait_dma2 semaphore(%arg11 : memref<!tpu.dma_semaphore, #tpu.memory_space<semaphore_mem>>) src(%dma_wait3A_100 : memref<800xi32, #tpu.memory_space<hbm>>) dst(%dma_wait3A_97 : memref<800xi32, #tpu.memory_space<vmem>>)
      %dma_wait3A_101 = arith.constant 0 : i32
      %dma_wait3A_102 = tpu.memref_slice %arg9[%rem3A_82, %dma_wait3A_101] : memref<3x800xi32, #tpu.memory_space<vmem>> -> memref<1x800xi32, #tpu.memory_space<vmem>>
      %dma_wait3A_103 = tpu.memref_squeeze %dma_wait3A_102 : memref<1x800xi32, #tpu.memory_space<vmem>> -> memref<800xi32, #tpu.memory_space<vmem>>
      %dma_wait3A_104 = arith.constant 0 : i32
      %dma_wait3A_105 = tpu.memref_slice %arg4[%mul3A_2, %dma_wait3A_104] : memref<4000x800xi32, #tpu.memory_space<hbm>> -> memref<1x800xi32, #tpu.memory_space<hbm>>
      %dma_wait3A_106 = tpu.memref_squeeze %dma_wait3A_105 : memref<1x800xi32, #tpu.memory_space<hbm>> -> memref<800xi32, #tpu.memory_space<hbm>>
      %dma_wait3A_107 = arith.constant 0 : i32
      %dma_wait3A_108 = tpu.memref_slice %arg9[%rem3A_82, %dma_wait3A_107] : memref<3x800xi32, #tpu.memory_space<vmem>> -> memref<1x800xi32, #tpu.memory_space<vmem>>
      %dma_wait3A_109 = tpu.memref_squeeze %dma_wait3A_108 : memref<1x800xi32, #tpu.memory_space<vmem>> -> memref<800xi32, #tpu.memory_space<vmem>>
      %dma_wait3A_110 = arith.constant 0 : i32
      %dma_wait3A_111 = tpu.memref_slice %arg4[%mul3A_2, %dma_wait3A_110] : memref<4000x800xi32, #tpu.memory_space<hbm>> -> memref<1x800xi32, #tpu.memory_space<hbm>>
      %dma_wait3A_112 = tpu.memref_squeeze %dma_wait3A_111 : memref<1x800xi32, #tpu.memory_space<hbm>> -> memref<800xi32, #tpu.memory_space<hbm>>
      tpu.wait_dma2 semaphore(%arg11 : memref<!tpu.dma_semaphore, #tpu.memory_space<semaphore_mem>>) src(%dma_wait3A_112 : memref<800xi32, #tpu.memory_space<hbm>>) dst(%dma_wait3A_109 : memref<800xi32, #tpu.memory_space<vmem>>)
      %dma_start3A_113 = arith.constant 0 : i32
      %dma_start3A_114 = arith.constant 0 : i32
      %dma_start3A_115 = tpu.memref_slice %arg10[%rem3A_88, %dma_start3A_113, %dma_start3A_114] : memref<2x800x16xf32, #tpu.memory_space<vmem>> -> memref<1x800x16xf32, #tpu.memory_space<vmem>>
      %dma_start3A_116 = tpu.memref_squeeze %dma_start3A_115 : memref<1x800x16xf32, #tpu.memory_space<vmem>> -> memref<800x16xf32, #tpu.memory_space<vmem>>
      %dma_start3A_117 = arith.constant 0 : i32
      %dma_start3A_118 = tpu.memref_slice %arg8[%rem3A_82, %dma_start3A_117] : memref<3x800xi32, #tpu.memory_space<vmem>> -> memref<1x800xi32, #tpu.memory_space<vmem>>
      %dma_start3A_119 = tpu.memref_squeeze %dma_start3A_118 : memref<1x800xi32, #tpu.memory_space<vmem>> -> memref<800xi32, #tpu.memory_space<vmem>>
      %dma_start3A_120 = arith.constant 0 : i32
      %dma_start3A_121 = arith.constant 0 : i32
      %dma_start3A_122 = tpu.memref_slice %arg2[%dma_start3A_120, %dma_start3A_121] : memref<100352x16xf32, #tpu.memory_space<hbm>> -> memref<100352x16xf32, #tpu.memory_space<hbm>>
      tpu.enqueue_indirect_dma source(%dma_start3A_122 : memref<100352x16xf32, #tpu.memory_space<hbm>>) target(%dma_start3A_116 : memref<800x16xf32, #tpu.memory_space<vmem>>) offsets(%dma_start3A_119 : memref<800xi32, #tpu.memory_space<vmem>>) semaphore(%arg12 : memref<!tpu.dma_semaphore, #tpu.memory_space<semaphore_mem>>)
      %ge3A = arith.constant 1 : i32
      %ge3A_123 = arith.cmpi sge, %add3A_81, %ge3A : i32
      %convert_element_type3A = arith.extui %ge3A_123 : i1 to i32
      %cond3A = arith.constant 0 : i32
      %cond3A_124 = arith.cmpi ne, %convert_element_type3A, %cond3A : i32
      scf.if %cond3A_124 {
        %dma_wait3A_151 = arith.constant 0 : i32
        %dma_wait3A_152 = arith.constant 0 : i32
        %dma_wait3A_153 = arith.constant 0 : i32
        %dma_wait3A_154 = tpu.memref_slice %arg10[%dma_wait3A_151, %dma_wait3A_152, %dma_wait3A_153] : memref<2x800x16xf32, #tpu.memory_space<vmem>> -> memref<1x800x16xf32, #tpu.memory_space<vmem>>
        %dma_wait3A_155 = tpu.memref_squeeze %dma_wait3A_154 : memref<1x800x16xf32, #tpu.memory_space<vmem>> -> memref<800x16xf32, #tpu.memory_space<vmem>>
        %dma_wait3A_156 = arith.constant 0 : i32
        %dma_wait3A_157 = arith.constant 0 : i32
        %dma_wait3A_158 = tpu.memref_slice %arg10[%dma_wait3A_151, %dma_wait3A_156, %dma_wait3A_157] : memref<2x800x16xf32, #tpu.memory_space<vmem>> -> memref<1x800x16xf32, #tpu.memory_space<vmem>>
        %dma_wait3A_159 = tpu.memref_squeeze %dma_wait3A_158 : memref<1x800x16xf32, #tpu.memory_space<vmem>> -> memref<800x16xf32, #tpu.memory_space<vmem>>
        tpu.wait_dma2 semaphore(%arg13 : memref<!tpu.dma_semaphore, #tpu.memory_space<semaphore_mem>>) src(%arg5 : memref<6272x16xf32, #tpu.memory_space<hbm>>) dst(%dma_wait3A_159 : memref<800x16xf32, #tpu.memory_space<vmem>>)
      } else {
      }
      %add3A_125 = arith.constant 2 : i32
      %add3A_126 = arith.addi %add3A_81, %add3A_125 : i32
      %lt3A = arith.constant 125 : i32
      %lt3A_127 = arith.cmpi slt, %add3A_126, %lt3A : i32
      %convert_element_type3A_128 = arith.extui %lt3A_127 : i1 to i32
      %cond3A_129 = arith.constant 0 : i32
      %cond3A_130 = arith.cmpi ne, %convert_element_type3A_128, %cond3A_129 : i32
      scf.if %cond3A_130 {
        %add3A_151 = arith.addi %mul3A_2, %add3A_81 : i32
        %add3A_152 = arith.constant 2 : i32
        %add3A_153 = arith.addi %add3A_151, %add3A_152 : i32
        %dma_start3A_154 = arith.constant 0 : i32
        %dma_start3A_155 = tpu.memref_slice %arg8[%rem3A_86, %dma_start3A_154] : memref<3x800xi32, #tpu.memory_space<vmem>> -> memref<1x800xi32, #tpu.memory_space<vmem>>
        %dma_start3A_156 = tpu.memref_squeeze %dma_start3A_155 : memref<1x800xi32, #tpu.memory_space<vmem>> -> memref<800xi32, #tpu.memory_space<vmem>>
        %dma_start3A_157 = arith.constant 0 : i32
        %dma_start3A_158 = tpu.memref_slice %arg3[%add3A_153, %dma_start3A_157] : memref<4000x800xi32, #tpu.memory_space<hbm>> -> memref<1x800xi32, #tpu.memory_space<hbm>>
        %dma_start3A_159 = tpu.memref_squeeze %dma_start3A_158 : memref<1x800xi32, #tpu.memory_space<hbm>> -> memref<800xi32, #tpu.memory_space<hbm>>
        %dma_start3A_160 = arith.constant 0 : i32
        %dma_start3A_161 = tpu.memref_slice %arg8[%rem3A_86, %dma_start3A_160] : memref<3x800xi32, #tpu.memory_space<vmem>> -> memref<1x800xi32, #tpu.memory_space<vmem>>
        %dma_start3A_162 = tpu.memref_squeeze %dma_start3A_161 : memref<1x800xi32, #tpu.memory_space<vmem>> -> memref<800xi32, #tpu.memory_space<vmem>>
        %dma_start3A_163 = arith.constant 0 : i32
        %dma_start3A_164 = tpu.memref_slice %arg3[%add3A_153, %dma_start3A_163] : memref<4000x800xi32, #tpu.memory_space<hbm>> -> memref<1x800xi32, #tpu.memory_space<hbm>>
        %dma_start3A_165 = tpu.memref_squeeze %dma_start3A_164 : memref<1x800xi32, #tpu.memory_space<hbm>> -> memref<800xi32, #tpu.memory_space<hbm>>
        tpu.enqueue_dma source(%dma_start3A_165 : memref<800xi32, #tpu.memory_space<hbm>>) target(%dma_start3A_162 : memref<800xi32, #tpu.memory_space<vmem>>) target_semaphore(%arg11 : memref<!tpu.dma_semaphore, #tpu.memory_space<semaphore_mem>>)
        %add3A_166 = arith.addi %mul3A_2, %add3A_81 : i32
        %add3A_167 = arith.constant 2 : i32
        %add3A_168 = arith.addi %add3A_166, %add3A_167 : i32
        %dma_start3A_169 = arith.constant 0 : i32
        %dma_start3A_170 = tpu.memref_slice %arg9[%rem3A_86, %dma_start3A_169] : memref<3x800xi32, #tpu.memory_space<vmem>> -> memref<1x800xi32, #tpu.memory_space<vmem>>
        %dma_start3A_171 = tpu.memref_squeeze %dma_start3A_170 : memref<1x800xi32, #tpu.memory_space<vmem>> -> memref<800xi32, #tpu.memory_space<vmem>>
        %dma_start3A_172 = arith.constant 0 : i32
        %dma_start3A_173 = tpu.memref_slice %arg4[%add3A_168, %dma_start3A_172] : memref<4000x800xi32, #tpu.memory_space<hbm>> -> memref<1x800xi32, #tpu.memory_space<hbm>>
        %dma_start3A_174 = tpu.memref_squeeze %dma_start3A_173 : memref<1x800xi32, #tpu.memory_space<hbm>> -> memref<800xi32, #tpu.memory_space<hbm>>
        %dma_start3A_175 = arith.constant 0 : i32
        %dma_start3A_176 = tpu.memref_slice %arg9[%rem3A_86, %dma_start3A_175] : memref<3x800xi32, #tpu.memory_space<vmem>> -> memref<1x800xi32, #tpu.memory_space<vmem>>
        %dma_start3A_177 = tpu.memref_squeeze %dma_start3A_176 : memref<1x800xi32, #tpu.memory_space<vmem>> -> memref<800xi32, #tpu.memory_space<vmem>>
        %dma_start3A_178 = arith.constant 0 : i32
        %dma_start3A_179 = tpu.memref_slice %arg4[%add3A_168, %dma_start3A_178] : memref<4000x800xi32, #tpu.memory_space<hbm>> -> memref<1x800xi32, #tpu.memory_space<hbm>>
        %dma_start3A_180 = tpu.memref_squeeze %dma_start3A_179 : memref<1x800xi32, #tpu.memory_space<hbm>> -> memref<800xi32, #tpu.memory_space<hbm>>
        tpu.enqueue_dma source(%dma_start3A_180 : memref<800xi32, #tpu.memory_space<hbm>>) target(%dma_start3A_177 : memref<800xi32, #tpu.memory_space<vmem>>) target_semaphore(%arg11 : memref<!tpu.dma_semaphore, #tpu.memory_space<semaphore_mem>>)
      } else {
      }
      %dma_wait3A_131 = arith.constant 0 : i32
      %dma_wait3A_132 = arith.constant 0 : i32
      %dma_wait3A_133 = tpu.memref_slice %arg10[%rem3A_88, %dma_wait3A_131, %dma_wait3A_132] : memref<2x800x16xf32, #tpu.memory_space<vmem>> -> memref<1x800x16xf32, #tpu.memory_space<vmem>>
      %dma_wait3A_134 = tpu.memref_squeeze %dma_wait3A_133 : memref<1x800x16xf32, #tpu.memory_space<vmem>> -> memref<800x16xf32, #tpu.memory_space<vmem>>
      %dma_wait3A_135 = arith.constant 0 : i32
      %dma_wait3A_136 = tpu.memref_slice %arg8[%rem3A_82, %dma_wait3A_135] : memref<3x800xi32, #tpu.memory_space<vmem>> -> memref<1x800xi32, #tpu.memory_space<vmem>>
      %dma_wait3A_137 = tpu.memref_squeeze %dma_wait3A_136 : memref<1x800xi32, #tpu.memory_space<vmem>> -> memref<800xi32, #tpu.memory_space<vmem>>
      %dma_wait3A_138 = arith.constant 0 : i32
      %dma_wait3A_139 = arith.constant 0 : i32
      %dma_wait3A_140 = tpu.memref_slice %arg2[%dma_wait3A_138, %dma_wait3A_139] : memref<100352x16xf32, #tpu.memory_space<hbm>> -> memref<100352x16xf32, #tpu.memory_space<hbm>>
      tpu.wait_indirect_dma semaphore(%arg12 : memref<!tpu.dma_semaphore, #tpu.memory_space<semaphore_mem>>) src(%dma_wait3A_140 : memref<100352x16xf32, #tpu.memory_space<hbm>>) dst(%dma_wait3A_134 : memref<800x16xf32, #tpu.memory_space<vmem>>)
      %dma_start3A_141 = arith.constant 0 : i32
      %dma_start3A_142 = arith.constant 0 : i32
      %dma_start3A_143 = tpu.memref_slice %arg10[%rem3A_88, %dma_start3A_141, %dma_start3A_142] : memref<2x800x16xf32, #tpu.memory_space<vmem>> -> memref<1x800x16xf32, #tpu.memory_space<vmem>>
      %dma_start3A_144 = tpu.memref_squeeze %dma_start3A_143 : memref<1x800x16xf32, #tpu.memory_space<vmem>> -> memref<800x16xf32, #tpu.memory_space<vmem>>
      %dma_start3A_145 = arith.constant 0 : i32
      %dma_start3A_146 = tpu.memref_slice %arg9[%rem3A_82, %dma_start3A_145] : memref<3x800xi32, #tpu.memory_space<vmem>> -> memref<1x800xi32, #tpu.memory_space<vmem>>
      %dma_start3A_147 = tpu.memref_squeeze %dma_start3A_146 : memref<1x800xi32, #tpu.memory_space<vmem>> -> memref<800xi32, #tpu.memory_space<vmem>>
      %dma_start3A_148 = arith.constant 0 : i32
      %dma_start3A_149 = arith.constant 0 : i32
      %dma_start3A_150 = tpu.memref_slice %arg7[%dma_start3A_148, %dma_start3A_149] : memref<100352x16xf32, #tpu.memory_space<vmem_shared>> -> memref<100352x16xf32, #tpu.memory_space<vmem_shared>>
      tpu.enqueue_indirect_dma source(%dma_start3A_144 : memref<800x16xf32, #tpu.memory_space<vmem>>) target(%dma_start3A_150 : memref<100352x16xf32, #tpu.memory_space<vmem_shared>>) offsets(%dma_start3A_147 : memref<800xi32, #tpu.memory_space<vmem>>) semaphore(%arg13 : memref<!tpu.dma_semaphore, #tpu.memory_space<semaphore_mem>>) {add = true}
    }
    %scan3A_63 = arith.constant 125 : i32
    %dma_wait3A = arith.constant 0 : i32
    %dma_wait3A_64 = arith.constant 0 : i32
    %dma_wait3A_65 = arith.constant 0 : i32
    %dma_wait3A_66 = tpu.memref_slice %arg10[%dma_wait3A, %dma_wait3A_64, %dma_wait3A_65] : memref<2x800x16xf32, #tpu.memory_space<vmem>> -> memref<1x800x16xf32, #tpu.memory_space<vmem>>
    %dma_wait3A_67 = tpu.memref_squeeze %dma_wait3A_66 : memref<1x800x16xf32, #tpu.memory_space<vmem>> -> memref<800x16xf32, #tpu.memory_space<vmem>>
    %dma_wait3A_68 = arith.constant 0 : i32
    %dma_wait3A_69 = arith.constant 0 : i32
    %dma_wait3A_70 = tpu.memref_slice %arg10[%dma_wait3A, %dma_wait3A_68, %dma_wait3A_69] : memref<2x800x16xf32, #tpu.memory_space<vmem>> -> memref<1x800x16xf32, #tpu.memory_space<vmem>>
    %dma_wait3A_71 = tpu.memref_squeeze %dma_wait3A_70 : memref<1x800x16xf32, #tpu.memory_space<vmem>> -> memref<800x16xf32, #tpu.memory_space<vmem>>
    tpu.wait_dma2 semaphore(%arg13 : memref<!tpu.dma_semaphore, #tpu.memory_space<semaphore_mem>>) src(%arg5 : memref<6272x16xf32, #tpu.memory_space<hbm>>) dst(%dma_wait3A_71 : memref<800x16xf32, #tpu.memory_space<vmem>>)
    %barrier3A_72 = arith.constant 0 : index
    tpu.barrier barrier_id(%barrier3A_72)
    %mul3A_73 = arith.constant 6272 : i32
    %mul3A_74 = arith.muli %arg1, %mul3A_73 : i32
    %mul3A_75 = arith.constant 6272 : i32
    %mul3A_76 = arith.muli %arg1, %mul3A_75 : i32
    "tpu.region"() ({
      %run_scoped3A = tpu.sem_alloc : memref<!tpu.dma_semaphore, #tpu.memory_space<semaphore_mem>>
      %dma_start3A_77 = arith.constant 0 : i32
      %dma_start3A_78 = tpu.memref_slice %arg6[%arg0, %mul3A_76, %dma_start3A_77] : memref<2x100352x16xf32, #tpu.memory_space<hbm>> -> memref<1x6272x16xf32, #tpu.memory_space<hbm>>
      %dma_start3A_79 = tpu.memref_squeeze %dma_start3A_78 : memref<1x6272x16xf32, #tpu.memory_space<hbm>> -> memref<6272x16xf32, #tpu.memory_space<hbm>>
      %dma_start3A_80 = arith.constant 0 : i32
      %dma_start3A_81 = tpu.memref_slice %arg7[%mul3A_74, %dma_start3A_80] : memref<100352x16xf32, #tpu.memory_space<vmem_shared>> -> memref<6272x16xf32, #tpu.memory_space<vmem_shared>>
      tpu.enqueue_dma source(%dma_start3A_81 : memref<6272x16xf32, #tpu.memory_space<vmem_shared>>) target(%dma_start3A_79 : memref<6272x16xf32, #tpu.memory_space<hbm>>) target_semaphore(%run_scoped3A : memref<!tpu.dma_semaphore, #tpu.memory_space<semaphore_mem>>)
      %dma_wait3A_82 = arith.constant 0 : i32
      %dma_wait3A_83 = tpu.memref_slice %arg6[%arg0, %mul3A_76, %dma_wait3A_82] : memref<2x100352x16xf32, #tpu.memory_space<hbm>> -> memref<1x6272x16xf32, #tpu.memory_space<hbm>>
      %dma_wait3A_84 = tpu.memref_squeeze %dma_wait3A_83 : memref<1x6272x16xf32, #tpu.memory_space<hbm>> -> memref<6272x16xf32, #tpu.memory_space<hbm>>
      %dma_wait3A_85 = arith.constant 0 : i32
      %dma_wait3A_86 = tpu.memref_slice %arg7[%mul3A_74, %dma_wait3A_85] : memref<100352x16xf32, #tpu.memory_space<vmem_shared>> -> memref<6272x16xf32, #tpu.memory_space<vmem_shared>>
      tpu.wait_dma2 semaphore(%run_scoped3A : memref<!tpu.dma_semaphore, #tpu.memory_space<semaphore_mem>>) src(%dma_wait3A_86 : memref<6272x16xf32, #tpu.memory_space<vmem_shared>>) dst(%dma_wait3A_84 : memref<6272x16xf32, #tpu.memory_space<hbm>>)
      tpu.yield
    }) : () -> ()
    return
  }
}

#map = affine_map<(d0, d1) -> (0, 0)>
#map1 = affine_map<(d0, d1) -> (0)>
module attributes {stable_mosaic.version = 14 : i64} {
  func.func @_deg_kernel(%arg0: i32, %arg1: i32, %arg2: memref<1600x2000xi32, #tpu.memory_space<hbm>>, %arg3: memref<2000xf32, #tpu.memory_space<hbm>>, %arg4: memref<6272xf32, #tpu.memory_space<hbm>>, %arg5: memref<2x100352xf32, #tpu.memory_space<hbm>>, %arg6: memref<100352xf32, #tpu.memory_space<vmem_shared>>, %arg7: memref<3x2000xi32, #tpu.memory_space<vmem>>, %arg8: memref<2000xf32, #tpu.memory_space<vmem>>, %arg9: memref<!tpu.dma_semaphore, #tpu.memory_space<semaphore_mem>>, %arg10: memref<!tpu.dma_semaphore, #tpu.memory_space<semaphore_mem>>) attributes {dimension_semantics = [#tpu.dimension_semantics<core_parallel>, #tpu.dimension_semantics<subcore_parallel>], iteration_bounds = array<i64: 2, 16>, scalar_prefetch = 0 : i64, scratch_operands = 5 : i64, tpu.core_type = #tpu.core_type<sc_vector_subcore>, window_params = [{transform_indices = #map}, {transform_indices = #map1}, {transform_indices = #map1}, {transform_indices = #map}]} {
    %mul3A = arith.constant 16 : i32
    %mul3A_0 = arith.muli %arg0, %mul3A : i32
    %add3A = arith.addi %mul3A_0, %arg1 : i32
    "tpu.region"() ({
      %run_scoped3A = tpu.sem_alloc : memref<!tpu.dma_semaphore, #tpu.memory_space<semaphore_mem>>
      tpu.enqueue_dma source(%arg3 : memref<2000xf32, #tpu.memory_space<hbm>>) target(%arg8 : memref<2000xf32, #tpu.memory_space<vmem>>) target_semaphore(%run_scoped3A : memref<!tpu.dma_semaphore, #tpu.memory_space<semaphore_mem>>)
      tpu.wait_dma2 semaphore(%run_scoped3A : memref<!tpu.dma_semaphore, #tpu.memory_space<semaphore_mem>>) src(%arg3 : memref<2000xf32, #tpu.memory_space<hbm>>) dst(%arg8 : memref<2000xf32, #tpu.memory_space<vmem>>)
      tpu.yield
    }) : () -> ()
    %mul3A_1 = arith.constant 6272 : i32
    %mul3A_2 = arith.muli %arg1, %mul3A_1 : i32
    "tpu.region"() ({
      %run_scoped3A = tpu.sem_alloc : memref<!tpu.dma_semaphore, #tpu.memory_space<semaphore_mem>>
      %dma_start3A_46 = tpu.memref_slice %arg6[%mul3A_2] : memref<100352xf32, #tpu.memory_space<vmem_shared>> -> memref<6272xf32, #tpu.memory_space<vmem_shared>>
      tpu.enqueue_dma source(%arg4 : memref<6272xf32, #tpu.memory_space<hbm>>) target(%dma_start3A_46 : memref<6272xf32, #tpu.memory_space<vmem_shared>>) target_semaphore(%run_scoped3A : memref<!tpu.dma_semaphore, #tpu.memory_space<semaphore_mem>>)
      %dma_wait3A_47 = tpu.memref_slice %arg6[%mul3A_2] : memref<100352xf32, #tpu.memory_space<vmem_shared>> -> memref<6272xf32, #tpu.memory_space<vmem_shared>>
      tpu.wait_dma2 semaphore(%run_scoped3A : memref<!tpu.dma_semaphore, #tpu.memory_space<semaphore_mem>>) src(%arg4 : memref<6272xf32, #tpu.memory_space<hbm>>) dst(%dma_wait3A_47 : memref<6272xf32, #tpu.memory_space<vmem_shared>>)
      tpu.yield
    }) : () -> ()
    %barrier3A = arith.constant 0 : index
    tpu.barrier barrier_id(%barrier3A)
    %mul3A_3 = arith.constant 50 : i32
    %mul3A_4 = arith.muli %add3A, %mul3A_3 : i32
    %dma_start3A = arith.constant 0 : i32
    %dma_start3A_5 = arith.constant 0 : i32
    %dma_start3A_6 = tpu.memref_slice %arg7[%dma_start3A, %dma_start3A_5] : memref<3x2000xi32, #tpu.memory_space<vmem>> -> memref<1x2000xi32, #tpu.memory_space<vmem>>
    %dma_start3A_7 = tpu.memref_squeeze %dma_start3A_6 : memref<1x2000xi32, #tpu.memory_space<vmem>> -> memref<2000xi32, #tpu.memory_space<vmem>>
    %dma_start3A_8 = arith.constant 0 : i32
    %dma_start3A_9 = tpu.memref_slice %arg2[%mul3A_4, %dma_start3A_8] : memref<1600x2000xi32, #tpu.memory_space<hbm>> -> memref<1x2000xi32, #tpu.memory_space<hbm>>
    %dma_start3A_10 = tpu.memref_squeeze %dma_start3A_9 : memref<1x2000xi32, #tpu.memory_space<hbm>> -> memref<2000xi32, #tpu.memory_space<hbm>>
    %dma_start3A_11 = arith.constant 0 : i32
    %dma_start3A_12 = tpu.memref_slice %arg7[%dma_start3A, %dma_start3A_11] : memref<3x2000xi32, #tpu.memory_space<vmem>> -> memref<1x2000xi32, #tpu.memory_space<vmem>>
    %dma_start3A_13 = tpu.memref_squeeze %dma_start3A_12 : memref<1x2000xi32, #tpu.memory_space<vmem>> -> memref<2000xi32, #tpu.memory_space<vmem>>
    %dma_start3A_14 = arith.constant 0 : i32
    %dma_start3A_15 = tpu.memref_slice %arg2[%mul3A_4, %dma_start3A_14] : memref<1600x2000xi32, #tpu.memory_space<hbm>> -> memref<1x2000xi32, #tpu.memory_space<hbm>>
    %dma_start3A_16 = tpu.memref_squeeze %dma_start3A_15 : memref<1x2000xi32, #tpu.memory_space<hbm>> -> memref<2000xi32, #tpu.memory_space<hbm>>
    tpu.enqueue_dma source(%dma_start3A_16 : memref<2000xi32, #tpu.memory_space<hbm>>) target(%dma_start3A_13 : memref<2000xi32, #tpu.memory_space<vmem>>) target_semaphore(%arg9 : memref<!tpu.dma_semaphore, #tpu.memory_space<semaphore_mem>>)
    %add3A_17 = arith.constant 1 : i32
    %add3A_18 = arith.addi %mul3A_4, %add3A_17 : i32
    %dma_start3A_19 = arith.constant 1 : i32
    %dma_start3A_20 = arith.constant 0 : i32
    %dma_start3A_21 = tpu.memref_slice %arg7[%dma_start3A_19, %dma_start3A_20] : memref<3x2000xi32, #tpu.memory_space<vmem>> -> memref<1x2000xi32, #tpu.memory_space<vmem>>
    %dma_start3A_22 = tpu.memref_squeeze %dma_start3A_21 : memref<1x2000xi32, #tpu.memory_space<vmem>> -> memref<2000xi32, #tpu.memory_space<vmem>>
    %dma_start3A_23 = arith.constant 0 : i32
    %dma_start3A_24 = tpu.memref_slice %arg2[%add3A_18, %dma_start3A_23] : memref<1600x2000xi32, #tpu.memory_space<hbm>> -> memref<1x2000xi32, #tpu.memory_space<hbm>>
    %dma_start3A_25 = tpu.memref_squeeze %dma_start3A_24 : memref<1x2000xi32, #tpu.memory_space<hbm>> -> memref<2000xi32, #tpu.memory_space<hbm>>
    %dma_start3A_26 = arith.constant 0 : i32
    %dma_start3A_27 = tpu.memref_slice %arg7[%dma_start3A_19, %dma_start3A_26] : memref<3x2000xi32, #tpu.memory_space<vmem>> -> memref<1x2000xi32, #tpu.memory_space<vmem>>
    %dma_start3A_28 = tpu.memref_squeeze %dma_start3A_27 : memref<1x2000xi32, #tpu.memory_space<vmem>> -> memref<2000xi32, #tpu.memory_space<vmem>>
    %dma_start3A_29 = arith.constant 0 : i32
    %dma_start3A_30 = tpu.memref_slice %arg2[%add3A_18, %dma_start3A_29] : memref<1600x2000xi32, #tpu.memory_space<hbm>> -> memref<1x2000xi32, #tpu.memory_space<hbm>>
    %dma_start3A_31 = tpu.memref_squeeze %dma_start3A_30 : memref<1x2000xi32, #tpu.memory_space<hbm>> -> memref<2000xi32, #tpu.memory_space<hbm>>
    tpu.enqueue_dma source(%dma_start3A_31 : memref<2000xi32, #tpu.memory_space<hbm>>) target(%dma_start3A_28 : memref<2000xi32, #tpu.memory_space<vmem>>) target_semaphore(%arg9 : memref<!tpu.dma_semaphore, #tpu.memory_space<semaphore_mem>>)
    %scan3A = arith.constant 0 : i32
    %scan3A_32 = arith.constant 50 : i32
    %scan3A_33 = arith.addi %scan3A, %scan3A_32 : i32
    %scan3A_34 = arith.constant 1 : i32
    scf.for %scan3A_46 = %scan3A to %scan3A_33 step %scan3A_34  : i32 {
      %mul3A_47 = arith.constant 1 : i32
      %mul3A_48 = arith.muli %scan3A_46, %mul3A_47 : i32
      %add3A_49 = arith.constant 0 : i32
      %add3A_50 = arith.addi %add3A_49, %mul3A_48 : i32
      %rem3A = arith.constant 3 : i32
      %rem3A_51 = arith.remsi %add3A_50, %rem3A : i32
      %add3A_52 = arith.constant 2 : i32
      %add3A_53 = arith.addi %add3A_50, %add3A_52 : i32
      %rem3A_54 = arith.constant 3 : i32
      %rem3A_55 = arith.remsi %add3A_53, %rem3A_54 : i32
      %dma_wait3A_56 = arith.constant 0 : i32
      %dma_wait3A_57 = tpu.memref_slice %arg7[%rem3A_51, %dma_wait3A_56] : memref<3x2000xi32, #tpu.memory_space<vmem>> -> memref<1x2000xi32, #tpu.memory_space<vmem>>
      %dma_wait3A_58 = tpu.memref_squeeze %dma_wait3A_57 : memref<1x2000xi32, #tpu.memory_space<vmem>> -> memref<2000xi32, #tpu.memory_space<vmem>>
      %dma_wait3A_59 = arith.constant 0 : i32
      %dma_wait3A_60 = tpu.memref_slice %arg2[%mul3A_4, %dma_wait3A_59] : memref<1600x2000xi32, #tpu.memory_space<hbm>> -> memref<1x2000xi32, #tpu.memory_space<hbm>>
      %dma_wait3A_61 = tpu.memref_squeeze %dma_wait3A_60 : memref<1x2000xi32, #tpu.memory_space<hbm>> -> memref<2000xi32, #tpu.memory_space<hbm>>
      %dma_wait3A_62 = arith.constant 0 : i32
      %dma_wait3A_63 = tpu.memref_slice %arg7[%rem3A_51, %dma_wait3A_62] : memref<3x2000xi32, #tpu.memory_space<vmem>> -> memref<1x2000xi32, #tpu.memory_space<vmem>>
      %dma_wait3A_64 = tpu.memref_squeeze %dma_wait3A_63 : memref<1x2000xi32, #tpu.memory_space<vmem>> -> memref<2000xi32, #tpu.memory_space<vmem>>
      %dma_wait3A_65 = arith.constant 0 : i32
      %dma_wait3A_66 = tpu.memref_slice %arg2[%mul3A_4, %dma_wait3A_65] : memref<1600x2000xi32, #tpu.memory_space<hbm>> -> memref<1x2000xi32, #tpu.memory_space<hbm>>
      %dma_wait3A_67 = tpu.memref_squeeze %dma_wait3A_66 : memref<1x2000xi32, #tpu.memory_space<hbm>> -> memref<2000xi32, #tpu.memory_space<hbm>>
      tpu.wait_dma2 semaphore(%arg9 : memref<!tpu.dma_semaphore, #tpu.memory_space<semaphore_mem>>) src(%dma_wait3A_67 : memref<2000xi32, #tpu.memory_space<hbm>>) dst(%dma_wait3A_64 : memref<2000xi32, #tpu.memory_space<vmem>>)
      %ge3A = arith.constant 1 : i32
      %ge3A_68 = arith.cmpi sge, %add3A_50, %ge3A : i32
      %convert_element_type3A = arith.extui %ge3A_68 : i1 to i32
      %cond3A = arith.constant 0 : i32
      %cond3A_69 = arith.cmpi ne, %convert_element_type3A, %cond3A : i32
      scf.if %cond3A_69 {
        %dma_wait3A_81 = arith.constant 0 : i32
        %dma_wait3A_82 = tpu.memref_slice %arg7[%rem3A_51, %dma_wait3A_81] : memref<3x2000xi32, #tpu.memory_space<vmem>> -> memref<1x2000xi32, #tpu.memory_space<vmem>>
        %dma_wait3A_83 = tpu.memref_squeeze %dma_wait3A_82 : memref<1x2000xi32, #tpu.memory_space<vmem>> -> memref<2000xi32, #tpu.memory_space<vmem>>
        %dma_wait3A_84 = arith.constant 0 : i32
        %dma_wait3A_85 = tpu.memref_slice %arg6[%dma_wait3A_84] : memref<100352xf32, #tpu.memory_space<vmem_shared>> -> memref<100352xf32, #tpu.memory_space<vmem_shared>>
        tpu.wait_indirect_dma semaphore(%arg10 : memref<!tpu.dma_semaphore, #tpu.memory_space<semaphore_mem>>) src(%arg8 : memref<2000xf32, #tpu.memory_space<vmem>>) dst(%dma_wait3A_85 : memref<100352xf32, #tpu.memory_space<vmem_shared>>)
      } else {
      }
      %add3A_70 = arith.constant 2 : i32
      %add3A_71 = arith.addi %add3A_50, %add3A_70 : i32
      %lt3A = arith.constant 50 : i32
      %lt3A_72 = arith.cmpi slt, %add3A_71, %lt3A : i32
      %convert_element_type3A_73 = arith.extui %lt3A_72 : i1 to i32
      %cond3A_74 = arith.constant 0 : i32
      %cond3A_75 = arith.cmpi ne, %convert_element_type3A_73, %cond3A_74 : i32
      scf.if %cond3A_75 {
        %add3A_81 = arith.addi %mul3A_4, %add3A_50 : i32
        %add3A_82 = arith.constant 2 : i32
        %add3A_83 = arith.addi %add3A_81, %add3A_82 : i32
        %dma_start3A_84 = arith.constant 0 : i32
        %dma_start3A_85 = tpu.memref_slice %arg7[%rem3A_55, %dma_start3A_84] : memref<3x2000xi32, #tpu.memory_space<vmem>> -> memref<1x2000xi32, #tpu.memory_space<vmem>>
        %dma_start3A_86 = tpu.memref_squeeze %dma_start3A_85 : memref<1x2000xi32, #tpu.memory_space<vmem>> -> memref<2000xi32, #tpu.memory_space<vmem>>
        %dma_start3A_87 = arith.constant 0 : i32
        %dma_start3A_88 = tpu.memref_slice %arg2[%add3A_83, %dma_start3A_87] : memref<1600x2000xi32, #tpu.memory_space<hbm>> -> memref<1x2000xi32, #tpu.memory_space<hbm>>
        %dma_start3A_89 = tpu.memref_squeeze %dma_start3A_88 : memref<1x2000xi32, #tpu.memory_space<hbm>> -> memref<2000xi32, #tpu.memory_space<hbm>>
        %dma_start3A_90 = arith.constant 0 : i32
        %dma_start3A_91 = tpu.memref_slice %arg7[%rem3A_55, %dma_start3A_90] : memref<3x2000xi32, #tpu.memory_space<vmem>> -> memref<1x2000xi32, #tpu.memory_space<vmem>>
        %dma_start3A_92 = tpu.memref_squeeze %dma_start3A_91 : memref<1x2000xi32, #tpu.memory_space<vmem>> -> memref<2000xi32, #tpu.memory_space<vmem>>
        %dma_start3A_93 = arith.constant 0 : i32
        %dma_start3A_94 = tpu.memref_slice %arg2[%add3A_83, %dma_start3A_93] : memref<1600x2000xi32, #tpu.memory_space<hbm>> -> memref<1x2000xi32, #tpu.memory_space<hbm>>
        %dma_start3A_95 = tpu.memref_squeeze %dma_start3A_94 : memref<1x2000xi32, #tpu.memory_space<hbm>> -> memref<2000xi32, #tpu.memory_space<hbm>>
        tpu.enqueue_dma source(%dma_start3A_95 : memref<2000xi32, #tpu.memory_space<hbm>>) target(%dma_start3A_92 : memref<2000xi32, #tpu.memory_space<vmem>>) target_semaphore(%arg9 : memref<!tpu.dma_semaphore, #tpu.memory_space<semaphore_mem>>)
      } else {
      }
      %dma_start3A_76 = arith.constant 0 : i32
      %dma_start3A_77 = tpu.memref_slice %arg7[%rem3A_51, %dma_start3A_76] : memref<3x2000xi32, #tpu.memory_space<vmem>> -> memref<1x2000xi32, #tpu.memory_space<vmem>>
      %dma_start3A_78 = tpu.memref_squeeze %dma_start3A_77 : memref<1x2000xi32, #tpu.memory_space<vmem>> -> memref<2000xi32, #tpu.memory_space<vmem>>
      %dma_start3A_79 = arith.constant 0 : i32
      %dma_start3A_80 = tpu.memref_slice %arg6[%dma_start3A_79] : memref<100352xf32, #tpu.memory_space<vmem_shared>> -> memref<100352xf32, #tpu.memory_space<vmem_shared>>
      tpu.enqueue_indirect_dma source(%arg8 : memref<2000xf32, #tpu.memory_space<vmem>>) target(%dma_start3A_80 : memref<100352xf32, #tpu.memory_space<vmem_shared>>) offsets(%dma_start3A_78 : memref<2000xi32, #tpu.memory_space<vmem>>) semaphore(%arg10 : memref<!tpu.dma_semaphore, #tpu.memory_space<semaphore_mem>>) {add = true}
    }
    %scan3A_35 = arith.constant 50 : i32
    %dma_wait3A = arith.constant 0 : i32
    %dma_wait3A_36 = arith.constant 0 : i32
    %dma_wait3A_37 = tpu.memref_slice %arg7[%dma_wait3A, %dma_wait3A_36] : memref<3x2000xi32, #tpu.memory_space<vmem>> -> memref<1x2000xi32, #tpu.memory_space<vmem>>
    %dma_wait3A_38 = tpu.memref_squeeze %dma_wait3A_37 : memref<1x2000xi32, #tpu.memory_space<vmem>> -> memref<2000xi32, #tpu.memory_space<vmem>>
    %dma_wait3A_39 = arith.constant 0 : i32
    %dma_wait3A_40 = tpu.memref_slice %arg6[%dma_wait3A_39] : memref<100352xf32, #tpu.memory_space<vmem_shared>> -> memref<100352xf32, #tpu.memory_space<vmem_shared>>
    tpu.wait_indirect_dma semaphore(%arg10 : memref<!tpu.dma_semaphore, #tpu.memory_space<semaphore_mem>>) src(%arg8 : memref<2000xf32, #tpu.memory_space<vmem>>) dst(%dma_wait3A_40 : memref<100352xf32, #tpu.memory_space<vmem_shared>>)
    %barrier3A_41 = arith.constant 0 : index
    tpu.barrier barrier_id(%barrier3A_41)
    %mul3A_42 = arith.constant 6272 : i32
    %mul3A_43 = arith.muli %arg1, %mul3A_42 : i32
    %mul3A_44 = arith.constant 6272 : i32
    %mul3A_45 = arith.muli %arg1, %mul3A_44 : i32
    "tpu.region"() ({
      %run_scoped3A = tpu.sem_alloc : memref<!tpu.dma_semaphore, #tpu.memory_space<semaphore_mem>>
      %dma_start3A_46 = tpu.memref_slice %arg5[%arg0, %mul3A_45] : memref<2x100352xf32, #tpu.memory_space<hbm>> -> memref<1x6272xf32, #tpu.memory_space<hbm>>
      %dma_start3A_47 = tpu.memref_squeeze %dma_start3A_46 : memref<1x6272xf32, #tpu.memory_space<hbm>> -> memref<6272xf32, #tpu.memory_space<hbm>>
      %dma_start3A_48 = tpu.memref_slice %arg6[%mul3A_43] : memref<100352xf32, #tpu.memory_space<vmem_shared>> -> memref<6272xf32, #tpu.memory_space<vmem_shared>>
      tpu.enqueue_dma source(%dma_start3A_48 : memref<6272xf32, #tpu.memory_space<vmem_shared>>) target(%dma_start3A_47 : memref<6272xf32, #tpu.memory_space<hbm>>) target_semaphore(%run_scoped3A : memref<!tpu.dma_semaphore, #tpu.memory_space<semaphore_mem>>)
      %dma_wait3A_49 = tpu.memref_slice %arg5[%arg0, %mul3A_45] : memref<2x100352xf32, #tpu.memory_space<hbm>> -> memref<1x6272xf32, #tpu.memory_space<hbm>>
      %dma_wait3A_50 = tpu.memref_squeeze %dma_wait3A_49 : memref<1x6272xf32, #tpu.memory_space<hbm>> -> memref<6272xf32, #tpu.memory_space<hbm>>
      %dma_wait3A_51 = tpu.memref_slice %arg6[%mul3A_43] : memref<100352xf32, #tpu.memory_space<vmem_shared>> -> memref<6272xf32, #tpu.memory_space<vmem_shared>>
      tpu.wait_dma2 semaphore(%run_scoped3A : memref<!tpu.dma_semaphore, #tpu.memory_space<semaphore_mem>>) src(%dma_wait3A_51 : memref<6272xf32, #tpu.memory_space<vmem_shared>>) dst(%dma_wait3A_50 : memref<6272xf32, #tpu.memory_space<hbm>>)
      tpu.yield
    }) : () -> ()
    return
  }
}

module attributes {stable_mosaic.version = 14 : i64} {
  func.func @_tc1a_body(%arg0: i32, %arg1: memref<256x8x128xf32, #tpu.memory_space<vmem>>, %arg2: memref<8x128x128xf32, #tpu.memory_space<vmem>>, %arg3: memref<256x128xf32, #tpu.memory_space<vmem>>) attributes {dimension_semantics = [#tpu.dimension_semantics<arbitrary>], iteration_bounds = array<i64: 49>, scalar_prefetch = 0 : i64, scratch_operands = 0 : i64, tpu.core_type = #tpu.core_type<tc>, window_params = [{transform_indices = @transform_0, window_bounds = array<i64: 256, 8, 128>}, {pipeline_mode = #tpu.pipeline_mode<synchronous>, transform_indices = @transform_1, window_bounds = array<i64: 8, 128, 128>}, {transform_indices = @transform_2, window_bounds = array<i64: 256, 128>}]} {
    %get3A = arith.constant 0 : index
    %get3A_0 = arith.constant 0 : index
    %get3A_1 = arith.constant 0 : index
    %get3A_2 = vector.load %arg1[%get3A, %get3A_0, %get3A_1] : memref<256x8x128xf32, #tpu.memory_space<vmem>>, vector<256x1x128xf32>
    %get3A_3 = vector.shape_cast %get3A_2 : vector<256x1x128xf32> to vector<256x128xf32>
    %get3A_4 = arith.constant 0 : index
    %get3A_5 = arith.constant 0 : index
    %get3A_6 = arith.constant 0 : index
    %get3A_7 = vector.load %arg2[%get3A_4, %get3A_5, %get3A_6] : memref<8x128x128xf32, #tpu.memory_space<vmem>>, vector<1x128x128xf32>
    %get3A_8 = vector.shape_cast %get3A_7 : vector<1x128x128xf32> to vector<128x128xf32>
    %dot_general3A = arith.constant dense<0.000000e+00> : vector<256x128xf32>
    %dot_general3A_9 = tpu.matmul %get3A_3, %get3A_8, %dot_general3A {dimension_numbers = #tpu.dot_dimension_numbers<[1], [0], [0], [1], [0, 0, 1, 1], [], []>, transpose_lhs_hint = false} : vector<256x128xf32>, vector<128x128xf32>, vector<256x128xf32> -> vector<256x128xf32>
    %get3A_10 = arith.constant 0 : index
    %get3A_11 = arith.constant 1 : index
    %get3A_12 = arith.constant 0 : index
    %get3A_13 = vector.load %arg1[%get3A_10, %get3A_11, %get3A_12] : memref<256x8x128xf32, #tpu.memory_space<vmem>>, vector<256x1x128xf32>
    %get3A_14 = vector.shape_cast %get3A_13 : vector<256x1x128xf32> to vector<256x128xf32>
    %get3A_15 = arith.constant 1 : index
    %get3A_16 = arith.constant 0 : index
    %get3A_17 = arith.constant 0 : index
    %get3A_18 = vector.load %arg2[%get3A_15, %get3A_16, %get3A_17] : memref<8x128x128xf32, #tpu.memory_space<vmem>>, vector<1x128x128xf32>
    %get3A_19 = vector.shape_cast %get3A_18 : vector<1x128x128xf32> to vector<128x128xf32>
    %dot_general3A_20 = arith.constant dense<0.000000e+00> : vector<256x128xf32>
    %dot_general3A_21 = tpu.matmul %get3A_14, %get3A_19, %dot_general3A_20 {dimension_numbers = #tpu.dot_dimension_numbers<[1], [0], [0], [1], [0, 0, 1, 1], [], []>, transpose_lhs_hint = false} : vector<256x128xf32>, vector<128x128xf32>, vector<256x128xf32> -> vector<256x128xf32>
    %add3A = arith.addf %dot_general3A_9, %dot_general3A_21 : vector<256x128xf32>
    %get3A_22 = arith.constant 0 : index
    %get3A_23 = arith.constant 2 : index
    %get3A_24 = arith.constant 0 : index
    %get3A_25 = vector.load %arg1[%get3A_22, %get3A_23, %get3A_24] : memref<256x8x128xf32, #tpu.memory_space<vmem>>, vector<256x1x128xf32>
    %get3A_26 = vector.shape_cast %get3A_25 : vector<256x1x128xf32> to vector<256x128xf32>
    %get3A_27 = arith.constant 2 : index
    %get3A_28 = arith.constant 0 : index
    %get3A_29 = arith.constant 0 : index
    %get3A_30 = vector.load %arg2[%get3A_27, %get3A_28, %get3A_29] : memref<8x128x128xf32, #tpu.memory_space<vmem>>, vector<1x128x128xf32>
    %get3A_31 = vector.shape_cast %get3A_30 : vector<1x128x128xf32> to vector<128x128xf32>
    %dot_general3A_32 = arith.constant dense<0.000000e+00> : vector<256x128xf32>
    %dot_general3A_33 = tpu.matmul %get3A_26, %get3A_31, %dot_general3A_32 {dimension_numbers = #tpu.dot_dimension_numbers<[1], [0], [0], [1], [0, 0, 1, 1], [], []>, transpose_lhs_hint = false} : vector<256x128xf32>, vector<128x128xf32>, vector<256x128xf32> -> vector<256x128xf32>
    %add3A_34 = arith.addf %add3A, %dot_general3A_33 : vector<256x128xf32>
    %get3A_35 = arith.constant 0 : index
    %get3A_36 = arith.constant 3 : index
    %get3A_37 = arith.constant 0 : index
    %get3A_38 = vector.load %arg1[%get3A_35, %get3A_36, %get3A_37] : memref<256x8x128xf32, #tpu.memory_space<vmem>>, vector<256x1x128xf32>
    %get3A_39 = vector.shape_cast %get3A_38 : vector<256x1x128xf32> to vector<256x128xf32>
    %get3A_40 = arith.constant 3 : index
    %get3A_41 = arith.constant 0 : index
    %get3A_42 = arith.constant 0 : index
    %get3A_43 = vector.load %arg2[%get3A_40, %get3A_41, %get3A_42] : memref<8x128x128xf32, #tpu.memory_space<vmem>>, vector<1x128x128xf32>
    %get3A_44 = vector.shape_cast %get3A_43 : vector<1x128x128xf32> to vector<128x128xf32>
    %dot_general3A_45 = arith.constant dense<0.000000e+00> : vector<256x128xf32>
    %dot_general3A_46 = tpu.matmul %get3A_39, %get3A_44, %dot_general3A_45 {dimension_numbers = #tpu.dot_dimension_numbers<[1], [0], [0], [1], [0, 0, 1, 1], [], []>, transpose_lhs_hint = false} : vector<256x128xf32>, vector<128x128xf32>, vector<256x128xf32> -> vector<256x128xf32>
    %add3A_47 = arith.addf %add3A_34, %dot_general3A_46 : vector<256x128xf32>
    %get3A_48 = arith.constant 0 : index
    %get3A_49 = arith.constant 4 : index
    %get3A_50 = arith.constant 0 : index
    %get3A_51 = vector.load %arg1[%get3A_48, %get3A_49, %get3A_50] : memref<256x8x128xf32, #tpu.memory_space<vmem>>, vector<256x1x128xf32>
    %get3A_52 = vector.shape_cast %get3A_51 : vector<256x1x128xf32> to vector<256x128xf32>
    %get3A_53 = arith.constant 4 : index
    %get3A_54 = arith.constant 0 : index
    %get3A_55 = arith.constant 0 : index
    %get3A_56 = vector.load %arg2[%get3A_53, %get3A_54, %get3A_55] : memref<8x128x128xf32, #tpu.memory_space<vmem>>, vector<1x128x128xf32>
    %get3A_57 = vector.shape_cast %get3A_56 : vector<1x128x128xf32> to vector<128x128xf32>
    %dot_general3A_58 = arith.constant dense<0.000000e+00> : vector<256x128xf32>
    %dot_general3A_59 = tpu.matmul %get3A_52, %get3A_57, %dot_general3A_58 {dimension_numbers = #tpu.dot_dimension_numbers<[1], [0], [0], [1], [0, 0, 1, 1], [], []>, transpose_lhs_hint = false} : vector<256x128xf32>, vector<128x128xf32>, vector<256x128xf32> -> vector<256x128xf32>
    %add3A_60 = arith.addf %add3A_47, %dot_general3A_59 : vector<256x128xf32>
    %get3A_61 = arith.constant 0 : index
    %get3A_62 = arith.constant 5 : index
    %get3A_63 = arith.constant 0 : index
    %get3A_64 = vector.load %arg1[%get3A_61, %get3A_62, %get3A_63] : memref<256x8x128xf32, #tpu.memory_space<vmem>>, vector<256x1x128xf32>
    %get3A_65 = vector.shape_cast %get3A_64 : vector<256x1x128xf32> to vector<256x128xf32>
    %get3A_66 = arith.constant 5 : index
    %get3A_67 = arith.constant 0 : index
    %get3A_68 = arith.constant 0 : index
    %get3A_69 = vector.load %arg2[%get3A_66, %get3A_67, %get3A_68] : memref<8x128x128xf32, #tpu.memory_space<vmem>>, vector<1x128x128xf32>
    %get3A_70 = vector.shape_cast %get3A_69 : vector<1x128x128xf32> to vector<128x128xf32>
    %dot_general3A_71 = arith.constant dense<0.000000e+00> : vector<256x128xf32>
    %dot_general3A_72 = tpu.matmul %get3A_65, %get3A_70, %dot_general3A_71 {dimension_numbers = #tpu.dot_dimension_numbers<[1], [0], [0], [1], [0, 0, 1, 1], [], []>, transpose_lhs_hint = false} : vector<256x128xf32>, vector<128x128xf32>, vector<256x128xf32> -> vector<256x128xf32>
    %add3A_73 = arith.addf %add3A_60, %dot_general3A_72 : vector<256x128xf32>
    %get3A_74 = arith.constant 0 : index
    %get3A_75 = arith.constant 6 : index
    %get3A_76 = arith.constant 0 : index
    %get3A_77 = vector.load %arg1[%get3A_74, %get3A_75, %get3A_76] : memref<256x8x128xf32, #tpu.memory_space<vmem>>, vector<256x1x128xf32>
    %get3A_78 = vector.shape_cast %get3A_77 : vector<256x1x128xf32> to vector<256x128xf32>
    %get3A_79 = arith.constant 6 : index
    %get3A_80 = arith.constant 0 : index
    %get3A_81 = arith.constant 0 : index
    %get3A_82 = vector.load %arg2[%get3A_79, %get3A_80, %get3A_81] : memref<8x128x128xf32, #tpu.memory_space<vmem>>, vector<1x128x128xf32>
    %get3A_83 = vector.shape_cast %get3A_82 : vector<1x128x128xf32> to vector<128x128xf32>
    %dot_general3A_84 = arith.constant dense<0.000000e+00> : vector<256x128xf32>
    %dot_general3A_85 = tpu.matmul %get3A_78, %get3A_83, %dot_general3A_84 {dimension_numbers = #tpu.dot_dimension_numbers<[1], [0], [0], [1], [0, 0, 1, 1], [], []>, transpose_lhs_hint = false} : vector<256x128xf32>, vector<128x128xf32>, vector<256x128xf32> -> vector<256x128xf32>
    %add3A_86 = arith.addf %add3A_73, %dot_general3A_85 : vector<256x128xf32>
    %get3A_87 = arith.constant 0 : index
    %get3A_88 = arith.constant 7 : index
    %get3A_89 = arith.constant 0 : index
    %get3A_90 = vector.load %arg1[%get3A_87, %get3A_88, %get3A_89] : memref<256x8x128xf32, #tpu.memory_space<vmem>>, vector<256x1x128xf32>
    %get3A_91 = vector.shape_cast %get3A_90 : vector<256x1x128xf32> to vector<256x128xf32>
    %get3A_92 = arith.constant 7 : index
    %get3A_93 = arith.constant 0 : index
    %get3A_94 = arith.constant 0 : index
    %get3A_95 = vector.load %arg2[%get3A_92, %get3A_93, %get3A_94] : memref<8x128x128xf32, #tpu.memory_space<vmem>>, vector<1x128x128xf32>
    %get3A_96 = vector.shape_cast %get3A_95 : vector<1x128x128xf32> to vector<128x128xf32>
    %dot_general3A_97 = arith.constant dense<0.000000e+00> : vector<256x128xf32>
    %dot_general3A_98 = tpu.matmul %get3A_91, %get3A_96, %dot_general3A_97 {dimension_numbers = #tpu.dot_dimension_numbers<[1], [0], [0], [1], [0, 0, 1, 1], [], []>, transpose_lhs_hint = false} : vector<256x128xf32>, vector<128x128xf32>, vector<256x128xf32> -> vector<256x128xf32>
    %add3A_99 = arith.addf %add3A_86, %dot_general3A_98 : vector<256x128xf32>
    %swap3A = arith.constant 0 : index
    %swap3A_100 = arith.constant 0 : index
    %swap3A_101 = vector.load %arg3[%swap3A, %swap3A_100] : memref<256x128xf32, #tpu.memory_space<vmem>>, vector<256x128xf32>
    tpu.vector_store %arg3[%swap3A, %swap3A_100], %add3A_99 {strides = array<i32>} : memref<256x128xf32, #tpu.memory_space<vmem>>, vector<256x128xf32>,
    return
  }
  func.func @transform_0(%arg0: i32) -> (i32, i32, i32) {
    %c0_i32 = arith.constant 0 : i32
    %c0_i32_0 = arith.constant 0 : i32
    %c0_i32_1 = arith.constant 0 : i32
    return %arg0, %c0_i32, %c0_i32_0 : i32, i32, i32
  }
  func.func @transform_1(%arg0: i32) -> (i32, i32, i32) {
    %c0_i32 = arith.constant 0 : i32
    %c0_i32_0 = arith.constant 0 : i32
    %c0_i32_1 = arith.constant 0 : i32
    %c0_i32_2 = arith.constant 0 : i32
    return %c0_i32, %c0_i32_0, %c0_i32_1 : i32, i32, i32
  }
  func.func @transform_2(%arg0: i32) -> (i32, i32) {
    %c0_i32 = arith.constant 0 : i32
    %c0_i32_0 = arith.constant 0 : i32
    return %arg0, %c0_i32 : i32, i32
  }
}

module attributes {stable_mosaic.version = 14 : i64} {
  func.func @_tc1b_body(%arg0: i32, %arg1: memref<256x128xf32, #tpu.memory_space<vmem>>, %arg2: memref<2x256x8xf32, #tpu.memory_space<vmem>>, %arg3: memref<8x128xf32, #tpu.memory_space<vmem>>, %arg4: memref<256x128xf32, #tpu.memory_space<vmem>>) attributes {dimension_semantics = [#tpu.dimension_semantics<arbitrary>], iteration_bounds = array<i64: 49>, scalar_prefetch = 0 : i64, scratch_operands = 0 : i64, tpu.core_type = #tpu.core_type<tc>, window_params = [{transform_indices = @transform_0, window_bounds = array<i64: 256, 128>}, {transform_indices = @transform_1, window_bounds = array<i64: 2, 256, 8>}, {pipeline_mode = #tpu.pipeline_mode<synchronous>, transform_indices = @transform_2, window_bounds = array<i64: 8, 128>}, {transform_indices = @transform_3, window_bounds = array<i64: 256, 128>}]} {
    %get3A = arith.constant 0 : index
    %get3A_0 = arith.constant 0 : index
    %get3A_1 = vector.load %arg1[%get3A, %get3A_0] : memref<256x128xf32, #tpu.memory_space<vmem>>, vector<256x128xf32>
    %get3A_2 = arith.constant 0 : index
    %get3A_3 = arith.constant 0 : index
    %get3A_4 = arith.constant 0 : index
    %get3A_5 = vector.load %arg2[%get3A_2, %get3A_3, %get3A_4] : memref<2x256x8xf32, #tpu.memory_space<vmem>>, vector<1x256x8xf32>
    %get3A_6 = vector.shape_cast %get3A_5 : vector<1x256x8xf32> to vector<256x8xf32>
    %get3A_7 = arith.constant 1 : index
    %get3A_8 = arith.constant 0 : index
    %get3A_9 = arith.constant 0 : index
    %get3A_10 = vector.load %arg2[%get3A_7, %get3A_8, %get3A_9] : memref<2x256x8xf32, #tpu.memory_space<vmem>>, vector<1x256x8xf32>
    %get3A_11 = vector.shape_cast %get3A_10 : vector<1x256x8xf32> to vector<256x8xf32>
    %add3A = arith.addf %get3A_6, %get3A_11 : vector<256x8xf32>
    %add3A_12 = arith.constant 1.000000e+00 : f32
    %add3A_13 = vector.broadcast %add3A_12 : f32 to vector<256x8xf32>
    %add3A_14 = arith.addf %add3A, %add3A_13 : vector<256x8xf32>
    %rsqrt3A = math.rsqrt %add3A_14 : vector<256x8xf32>
    %get3A_15 = arith.constant 0 : index
    %get3A_16 = arith.constant 0 : index
    %get3A_17 = vector.load %arg3[%get3A_15, %get3A_16] : memref<8x128xf32, #tpu.memory_space<vmem>>, vector<8x128xf32>
    %dot_general3A = arith.constant dense<0.000000e+00> : vector<256x128xf32>
    %dot_general3A_18 = tpu.matmul %rsqrt3A, %get3A_17, %dot_general3A {dimension_numbers = #tpu.dot_dimension_numbers<[1], [0], [0], [1], [0, 0, 1, 1], [], []>, transpose_lhs_hint = false} : vector<256x8xf32>, vector<8x128xf32>, vector<256x128xf32> -> vector<256x128xf32>
    %mul3A = arith.mulf %get3A_1, %dot_general3A_18 : vector<256x128xf32>
    %swap3A = arith.constant 0 : index
    %swap3A_19 = arith.constant 0 : index
    %swap3A_20 = vector.load %arg4[%swap3A, %swap3A_19] : memref<256x128xf32, #tpu.memory_space<vmem>>, vector<256x128xf32>
    tpu.vector_store %arg4[%swap3A, %swap3A_19], %mul3A {strides = array<i32>} : memref<256x128xf32, #tpu.memory_space<vmem>>, vector<256x128xf32>,
    return
  }
  func.func @transform_0(%arg0: i32) -> (i32, i32) {
    %c0_i32 = arith.constant 0 : i32
    %c0_i32_0 = arith.constant 0 : i32
    return %arg0, %c0_i32 : i32, i32
  }
  func.func @transform_1(%arg0: i32) -> (i32, i32, i32) {
    %c0_i32 = arith.constant 0 : i32
    %c0_i32_0 = arith.constant 0 : i32
    %c0_i32_1 = arith.constant 0 : i32
    return %c0_i32, %arg0, %c0_i32_0 : i32, i32, i32
  }
  func.func @transform_2(%arg0: i32) -> (i32, i32) {
    %c0_i32 = arith.constant 0 : i32
    %c0_i32_0 = arith.constant 0 : i32
    %c0_i32_1 = arith.constant 0 : i32
    return %c0_i32, %c0_i32_0 : i32, i32
  }
  func.func @transform_3(%arg0: i32) -> (i32, i32) {
    %c0_i32 = arith.constant 0 : i32
    %c0_i32_0 = arith.constant 0 : i32
    return %arg0, %c0_i32 : i32, i32
  }
}

module attributes {stable_mosaic.version = 14 : i64} {
  func.func @_tc2_body(%arg0: i32, %arg1: memref<2x256x128xf32, #tpu.memory_space<vmem>>, %arg2: memref<256x128xf32, #tpu.memory_space<vmem>>, %arg3: memref<2x256x8xf32, #tpu.memory_space<vmem>>, %arg4: memref<8x128xf32, #tpu.memory_space<vmem>>, %arg5: memref<1x128xf32, #tpu.memory_space<vmem>>, %arg6: memref<256x128xf32, #tpu.memory_space<vmem>>) attributes {dimension_semantics = [#tpu.dimension_semantics<arbitrary>], iteration_bounds = array<i64: 49>, scalar_prefetch = 0 : i64, scratch_operands = 0 : i64, tpu.core_type = #tpu.core_type<tc>, window_params = [{transform_indices = @transform_0, window_bounds = array<i64: 2, 256, 128>}, {transform_indices = @transform_1, window_bounds = array<i64: 256, 128>}, {transform_indices = @transform_2, window_bounds = array<i64: 2, 256, 8>}, {pipeline_mode = #tpu.pipeline_mode<synchronous>, transform_indices = @transform_3, window_bounds = array<i64: 8, 128>}, {pipeline_mode = #tpu.pipeline_mode<synchronous>, transform_indices = @transform_4, window_bounds = array<i64: 1, 128>}, {transform_indices = @transform_5, window_bounds = array<i64: 256, 128>}]} {
    %get3A = arith.constant 0 : index
    %get3A_0 = arith.constant 0 : index
    %get3A_1 = arith.constant 0 : index
    %get3A_2 = vector.load %arg3[%get3A, %get3A_0, %get3A_1] : memref<2x256x8xf32, #tpu.memory_space<vmem>>, vector<1x256x8xf32>
    %get3A_3 = vector.shape_cast %get3A_2 : vector<1x256x8xf32> to vector<256x8xf32>
    %get3A_4 = arith.constant 1 : index
    %get3A_5 = arith.constant 0 : index
    %get3A_6 = arith.constant 0 : index
    %get3A_7 = vector.load %arg3[%get3A_4, %get3A_5, %get3A_6] : memref<2x256x8xf32, #tpu.memory_space<vmem>>, vector<1x256x8xf32>
    %get3A_8 = vector.shape_cast %get3A_7 : vector<1x256x8xf32> to vector<256x8xf32>
    %add3A = arith.addf %get3A_3, %get3A_8 : vector<256x8xf32>
    %add3A_9 = arith.constant 1.000000e+00 : f32
    %add3A_10 = vector.broadcast %add3A_9 : f32 to vector<256x8xf32>
    %add3A_11 = arith.addf %add3A, %add3A_10 : vector<256x8xf32>
    %rsqrt3A = math.rsqrt %add3A_11 : vector<256x8xf32>
    %get3A_12 = arith.constant 0 : index
    %get3A_13 = arith.constant 0 : index
    %get3A_14 = vector.load %arg4[%get3A_12, %get3A_13] : memref<8x128xf32, #tpu.memory_space<vmem>>, vector<8x128xf32>
    %dot_general3A = arith.constant dense<0.000000e+00> : vector<256x128xf32>
    %dot_general3A_15 = tpu.matmul %rsqrt3A, %get3A_14, %dot_general3A {dimension_numbers = #tpu.dot_dimension_numbers<[1], [0], [0], [1], [0, 0, 1, 1], [], []>, transpose_lhs_hint = false} : vector<256x8xf32>, vector<8x128xf32>, vector<256x128xf32> -> vector<256x128xf32>
    %get3A_16 = arith.constant 0 : index
    %get3A_17 = arith.constant 0 : index
    %get3A_18 = arith.constant 0 : index
    %get3A_19 = vector.load %arg1[%get3A_16, %get3A_17, %get3A_18] : memref<2x256x128xf32, #tpu.memory_space<vmem>>, vector<1x256x128xf32>
    %get3A_20 = vector.shape_cast %get3A_19 : vector<1x256x128xf32> to vector<256x128xf32>
    %get3A_21 = arith.constant 1 : index
    %get3A_22 = arith.constant 0 : index
    %get3A_23 = arith.constant 0 : index
    %get3A_24 = vector.load %arg1[%get3A_21, %get3A_22, %get3A_23] : memref<2x256x128xf32, #tpu.memory_space<vmem>>, vector<1x256x128xf32>
    %get3A_25 = vector.shape_cast %get3A_24 : vector<1x256x128xf32> to vector<256x128xf32>
    %add3A_26 = arith.addf %get3A_20, %get3A_25 : vector<256x128xf32>
    %get3A_27 = arith.constant 0 : index
    %get3A_28 = arith.constant 0 : index
    %get3A_29 = vector.load %arg2[%get3A_27, %get3A_28] : memref<256x128xf32, #tpu.memory_space<vmem>>, vector<256x128xf32>
    %add3A_30 = arith.addf %add3A_26, %get3A_29 : vector<256x128xf32>
    %mul3A = arith.mulf %dot_general3A_15, %add3A_30 : vector<256x128xf32>
    %get3A_31 = arith.constant 0 : index
    %get3A_32 = arith.constant 0 : index
    %get3A_33 = vector.load %arg5[%get3A_31, %get3A_32] : memref<1x128xf32, #tpu.memory_space<vmem>>, vector<1x128xf32>
    %add3A_34 = vector.broadcast %get3A_33 : vector<1x128xf32> to vector<256x128xf32>
    %add3A_35 = arith.addf %mul3A, %add3A_34 : vector<256x128xf32>
    %max3A = arith.constant 0.000000e+00 : f32
    %max3A_36 = vector.broadcast %max3A : f32 to vector<256x128xf32>
    %max3A_37 = arith.maximumf %add3A_35, %max3A_36 : vector<256x128xf32>
    %mul3A_38 = arith.mulf %dot_general3A_15, %max3A_37 : vector<256x128xf32>
    %swap3A = arith.constant 0 : index
    %swap3A_39 = arith.constant 0 : index
    %swap3A_40 = vector.load %arg6[%swap3A, %swap3A_39] : memref<256x128xf32, #tpu.memory_space<vmem>>, vector<256x128xf32>
    tpu.vector_store %arg6[%swap3A, %swap3A_39], %mul3A_38 {strides = array<i32>} : memref<256x128xf32, #tpu.memory_space<vmem>>, vector<256x128xf32>,
    return
  }
  func.func @transform_0(%arg0: i32) -> (i32, i32, i32) {
    %c0_i32 = arith.constant 0 : i32
    %c0_i32_0 = arith.constant 0 : i32
    %c0_i32_1 = arith.constant 0 : i32
    return %c0_i32, %arg0, %c0_i32_0 : i32, i32, i32
  }
  func.func @transform_1(%arg0: i32) -> (i32, i32) {
    %c0_i32 = arith.constant 0 : i32
    %c0_i32_0 = arith.constant 0 : i32
    return %arg0, %c0_i32 : i32, i32
  }
  func.func @transform_2(%arg0: i32) -> (i32, i32, i32) {
    %c0_i32 = arith.constant 0 : i32
    %c0_i32_0 = arith.constant 0 : i32
    %c0_i32_1 = arith.constant 0 : i32
    return %c0_i32, %arg0, %c0_i32_0 : i32, i32, i32
  }
  func.func @transform_3(%arg0: i32) -> (i32, i32) {
    %c0_i32 = arith.constant 0 : i32
    %c0_i32_0 = arith.constant 0 : i32
    %c0_i32_1 = arith.constant 0 : i32
    return %c0_i32, %c0_i32_0 : i32, i32
  }
  func.func @transform_4(%arg0: i32) -> (i32, i32) {
    %c0_i32 = arith.constant 0 : i32
    %c0_i32_0 = arith.constant 0 : i32
    %c0_i32_1 = arith.constant 0 : i32
    return %c0_i32, %c0_i32_0 : i32, i32
  }
  func.func @transform_5(%arg0: i32) -> (i32, i32) {
    %c0_i32 = arith.constant 0 : i32
    %c0_i32_0 = arith.constant 0 : i32
    return %arg0, %c0_i32 : i32, i32
  }
}

module attributes {stable_mosaic.version = 14 : i64} {
  func.func @_tc3_body(%arg0: i32, %arg1: memref<2x256x128xf32, #tpu.memory_space<vmem>>, %arg2: memref<256x128xf32, #tpu.memory_space<vmem>>, %arg3: memref<2x256x8xf32, #tpu.memory_space<vmem>>, %arg4: memref<8x128xf32, #tpu.memory_space<vmem>>, %arg5: memref<2x128x128xf32, #tpu.memory_space<vmem>>, %arg6: memref<2x1x128xf32, #tpu.memory_space<vmem>>, %arg7: memref<128x128xf32, #tpu.memory_space<vmem>>, %arg8: memref<256x128xf32, #tpu.memory_space<vmem>>, %arg9: memref<256x128xf32, #tpu.memory_space<vmem>>) attributes {dimension_semantics = [#tpu.dimension_semantics<arbitrary>], iteration_bounds = array<i64: 49>, scalar_prefetch = 0 : i64, scratch_operands = 0 : i64, tpu.core_type = #tpu.core_type<tc>, window_params = [{transform_indices = @transform_0, window_bounds = array<i64: 2, 256, 128>}, {transform_indices = @transform_1, window_bounds = array<i64: 256, 128>}, {transform_indices = @transform_2, window_bounds = array<i64: 2, 256, 8>}, {pipeline_mode = #tpu.pipeline_mode<synchronous>, transform_indices = @transform_3, window_bounds = array<i64: 8, 128>}, {pipeline_mode = #tpu.pipeline_mode<synchronous>, transform_indices = @transform_4, window_bounds = array<i64: 2, 128, 128>}, {pipeline_mode = #tpu.pipeline_mode<synchronous>, transform_indices = @transform_5, window_bounds = array<i64: 2, 1, 128>}, {pipeline_mode = #tpu.pipeline_mode<synchronous>, transform_indices = @transform_6, window_bounds = array<i64: 128, 128>}, {transform_indices = @transform_7, window_bounds = array<i64: 256, 128>}, {transform_indices = @transform_8, window_bounds = array<i64: 256, 128>}]} {
    %get3A = arith.constant 0 : index
    %get3A_0 = arith.constant 0 : index
    %get3A_1 = arith.constant 0 : index
    %get3A_2 = vector.load %arg3[%get3A, %get3A_0, %get3A_1] : memref<2x256x8xf32, #tpu.memory_space<vmem>>, vector<1x256x8xf32>
    %get3A_3 = vector.shape_cast %get3A_2 : vector<1x256x8xf32> to vector<256x8xf32>
    %get3A_4 = arith.constant 1 : index
    %get3A_5 = arith.constant 0 : index
    %get3A_6 = arith.constant 0 : index
    %get3A_7 = vector.load %arg3[%get3A_4, %get3A_5, %get3A_6] : memref<2x256x8xf32, #tpu.memory_space<vmem>>, vector<1x256x8xf32>
    %get3A_8 = vector.shape_cast %get3A_7 : vector<1x256x8xf32> to vector<256x8xf32>
    %add3A = arith.addf %get3A_3, %get3A_8 : vector<256x8xf32>
    %add3A_9 = arith.constant 1.000000e+00 : f32
    %add3A_10 = vector.broadcast %add3A_9 : f32 to vector<256x8xf32>
    %add3A_11 = arith.addf %add3A, %add3A_10 : vector<256x8xf32>
    %rsqrt3A = math.rsqrt %add3A_11 : vector<256x8xf32>
    %get3A_12 = arith.constant 0 : index
    %get3A_13 = arith.constant 0 : index
    %get3A_14 = vector.load %arg4[%get3A_12, %get3A_13] : memref<8x128xf32, #tpu.memory_space<vmem>>, vector<8x128xf32>
    %dot_general3A = arith.constant dense<0.000000e+00> : vector<256x128xf32>
    %dot_general3A_15 = tpu.matmul %rsqrt3A, %get3A_14, %dot_general3A {dimension_numbers = #tpu.dot_dimension_numbers<[1], [0], [0], [1], [0, 0, 1, 1], [], []>, transpose_lhs_hint = false} : vector<256x8xf32>, vector<8x128xf32>, vector<256x128xf32> -> vector<256x128xf32>
    %get3A_16 = arith.constant 0 : index
    %get3A_17 = arith.constant 0 : index
    %get3A_18 = arith.constant 0 : index
    %get3A_19 = vector.load %arg1[%get3A_16, %get3A_17, %get3A_18] : memref<2x256x128xf32, #tpu.memory_space<vmem>>, vector<1x256x128xf32>
    %get3A_20 = vector.shape_cast %get3A_19 : vector<1x256x128xf32> to vector<256x128xf32>
    %get3A_21 = arith.constant 1 : index
    %get3A_22 = arith.constant 0 : index
    %get3A_23 = arith.constant 0 : index
    %get3A_24 = vector.load %arg1[%get3A_21, %get3A_22, %get3A_23] : memref<2x256x128xf32, #tpu.memory_space<vmem>>, vector<1x256x128xf32>
    %get3A_25 = vector.shape_cast %get3A_24 : vector<1x256x128xf32> to vector<256x128xf32>
    %add3A_26 = arith.addf %get3A_20, %get3A_25 : vector<256x128xf32>
    %get3A_27 = arith.constant 0 : index
    %get3A_28 = arith.constant 0 : index
    %get3A_29 = vector.load %arg2[%get3A_27, %get3A_28] : memref<256x128xf32, #tpu.memory_space<vmem>>, vector<256x128xf32>
    %add3A_30 = arith.addf %add3A_26, %get3A_29 : vector<256x128xf32>
    %mul3A = arith.mulf %dot_general3A_15, %add3A_30 : vector<256x128xf32>
    %get3A_31 = arith.constant 0 : index
    %get3A_32 = arith.constant 0 : index
    %get3A_33 = arith.constant 0 : index
    %get3A_34 = vector.load %arg5[%get3A_31, %get3A_32, %get3A_33] : memref<2x128x128xf32, #tpu.memory_space<vmem>>, vector<1x128x128xf32>
    %get3A_35 = vector.shape_cast %get3A_34 : vector<1x128x128xf32> to vector<128x128xf32>
    %dot_general3A_36 = arith.constant dense<0.000000e+00> : vector<256x128xf32>
    %dot_general3A_37 = tpu.matmul %mul3A, %get3A_35, %dot_general3A_36 {dimension_numbers = #tpu.dot_dimension_numbers<[1], [0], [0], [1], [0, 0, 1, 1], [], []>, transpose_lhs_hint = false} : vector<256x128xf32>, vector<128x128xf32>, vector<256x128xf32> -> vector<256x128xf32>
    %get3A_38 = arith.constant 0 : index
    %get3A_39 = arith.constant 0 : index
    %get3A_40 = arith.constant 0 : index
    %get3A_41 = vector.load %arg6[%get3A_38, %get3A_39, %get3A_40] : memref<2x1x128xf32, #tpu.memory_space<vmem>>, vector<1x1x128xf32>
    %get3A_42 = vector.shape_cast %get3A_41 : vector<1x1x128xf32> to vector<1x128xf32>
    %add3A_43 = vector.broadcast %get3A_42 : vector<1x128xf32> to vector<256x128xf32>
    %add3A_44 = arith.addf %dot_general3A_37, %add3A_43 : vector<256x128xf32>
    %get3A_45 = arith.constant 1 : index
    %get3A_46 = arith.constant 0 : index
    %get3A_47 = arith.constant 0 : index
    %get3A_48 = vector.load %arg5[%get3A_45, %get3A_46, %get3A_47] : memref<2x128x128xf32, #tpu.memory_space<vmem>>, vector<1x128x128xf32>
    %get3A_49 = vector.shape_cast %get3A_48 : vector<1x128x128xf32> to vector<128x128xf32>
    %dot_general3A_50 = arith.constant dense<0.000000e+00> : vector<256x128xf32>
    %dot_general3A_51 = tpu.matmul %mul3A, %get3A_49, %dot_general3A_50 {dimension_numbers = #tpu.dot_dimension_numbers<[1], [0], [0], [1], [0, 0, 1, 1], [], []>, transpose_lhs_hint = false} : vector<256x128xf32>, vector<128x128xf32>, vector<256x128xf32> -> vector<256x128xf32>
    %get3A_52 = arith.constant 1 : index
    %get3A_53 = arith.constant 0 : index
    %get3A_54 = arith.constant 0 : index
    %get3A_55 = vector.load %arg6[%get3A_52, %get3A_53, %get3A_54] : memref<2x1x128xf32, #tpu.memory_space<vmem>>, vector<1x1x128xf32>
    %get3A_56 = vector.shape_cast %get3A_55 : vector<1x1x128xf32> to vector<1x128xf32>
    %add3A_57 = vector.broadcast %get3A_56 : vector<1x128xf32> to vector<256x128xf32>
    %add3A_58 = arith.addf %dot_general3A_51, %add3A_57 : vector<256x128xf32>
    %max3A = arith.maximumf %add3A_44, %add3A_58 : vector<256x128xf32>
    %reduce_max3A = arith.constant dense<0xFF800000> : vector<256xf32>
    %reduce_max3A_59 = vector.multi_reduction <maximumf>, %max3A, %reduce_max3A [1] : vector<256x128xf32> to vector<256xf32>
    %broadcast_in_dim3A = vector.shape_cast %reduce_max3A_59 : vector<256xf32> to vector<256x1xf32>
    %sub3A = vector.broadcast %broadcast_in_dim3A : vector<256x1xf32> to vector<256x128xf32>
    %sub3A_60 = arith.subf %add3A_44, %sub3A : vector<256x128xf32>
    %exp3A = math.exp %sub3A_60 : vector<256x128xf32>
    %sub3A_61 = vector.broadcast %broadcast_in_dim3A : vector<256x1xf32> to vector<256x128xf32>
    %sub3A_62 = arith.subf %add3A_58, %sub3A_61 : vector<256x128xf32>
    %exp3A_63 = math.exp %sub3A_62 : vector<256x128xf32>
    %add3A_64 = arith.addf %exp3A, %exp3A_63 : vector<256x128xf32>
    %get3A_65 = arith.constant 0 : index
    %get3A_66 = arith.constant 0 : index
    %get3A_67 = vector.load %arg7[%get3A_65, %get3A_66] : memref<128x128xf32, #tpu.memory_space<vmem>>, vector<128x128xf32>
    %dot_general3A_68 = arith.constant dense<0.000000e+00> : vector<256x128xf32>
    %dot_general3A_69 = tpu.matmul %add3A_64, %get3A_67, %dot_general3A_68 {dimension_numbers = #tpu.dot_dimension_numbers<[1], [0], [0], [1], [0, 0, 1, 1], [], []>, transpose_lhs_hint = false} : vector<256x128xf32>, vector<128x128xf32>, vector<256x128xf32> -> vector<256x128xf32>
    %log3A = math.log %dot_general3A_69 : vector<256x128xf32>
    %add3A_70 = vector.broadcast %broadcast_in_dim3A : vector<256x1xf32> to vector<256x128xf32>
    %add3A_71 = arith.addf %add3A_70, %log3A : vector<256x128xf32>
    %sub3A_72 = arith.subf %add3A_44, %add3A_71 : vector<256x128xf32>
    %swap3A = arith.constant 0 : index
    %swap3A_73 = arith.constant 0 : index
    %swap3A_74 = vector.load %arg8[%swap3A, %swap3A_73] : memref<256x128xf32, #tpu.memory_space<vmem>>, vector<256x128xf32>
    tpu.vector_store %arg8[%swap3A, %swap3A_73], %sub3A_72 {strides = array<i32>} : memref<256x128xf32, #tpu.memory_space<vmem>>, vector<256x128xf32>,
    %sub3A_75 = arith.subf %add3A_58, %add3A_71 : vector<256x128xf32>
    %swap3A_76 = arith.constant 0 : index
    %swap3A_77 = arith.constant 0 : index
    %swap3A_78 = vector.load %arg9[%swap3A_76, %swap3A_77] : memref<256x128xf32, #tpu.memory_space<vmem>>, vector<256x128xf32>
    tpu.vector_store %arg9[%swap3A_76, %swap3A_77], %sub3A_75 {strides = array<i32>} : memref<256x128xf32, #tpu.memory_space<vmem>>, vector<256x128xf32>,
    return
  }
  func.func @transform_0(%arg0: i32) -> (i32, i32, i32) {
    %c0_i32 = arith.constant 0 : i32
    %c0_i32_0 = arith.constant 0 : i32
    %c0_i32_1 = arith.constant 0 : i32
    return %c0_i32, %arg0, %c0_i32_0 : i32, i32, i32
  }
  func.func @transform_1(%arg0: i32) -> (i32, i32) {
    %c0_i32 = arith.constant 0 : i32
    %c0_i32_0 = arith.constant 0 : i32
    return %arg0, %c0_i32 : i32, i32
  }
  func.func @transform_2(%arg0: i32) -> (i32, i32, i32) {
    %c0_i32 = arith.constant 0 : i32
    %c0_i32_0 = arith.constant 0 : i32
    %c0_i32_1 = arith.constant 0 : i32
    return %c0_i32, %arg0, %c0_i32_0 : i32, i32, i32
  }
  func.func @transform_3(%arg0: i32) -> (i32, i32) {
    %c0_i32 = arith.constant 0 : i32
    %c0_i32_0 = arith.constant 0 : i32
    %c0_i32_1 = arith.constant 0 : i32
    return %c0_i32, %c0_i32_0 : i32, i32
  }
  func.func @transform_4(%arg0: i32) -> (i32, i32, i32) {
    %c0_i32 = arith.constant 0 : i32
    %c0_i32_0 = arith.constant 0 : i32
    %c0_i32_1 = arith.constant 0 : i32
    %c0_i32_2 = arith.constant 0 : i32
    return %c0_i32, %c0_i32_0, %c0_i32_1 : i32, i32, i32
  }
  func.func @transform_5(%arg0: i32) -> (i32, i32, i32) {
    %c0_i32 = arith.constant 0 : i32
    %c0_i32_0 = arith.constant 0 : i32
    %c0_i32_1 = arith.constant 0 : i32
    %c0_i32_2 = arith.constant 0 : i32
    return %c0_i32, %c0_i32_0, %c0_i32_1 : i32, i32, i32
  }
  func.func @transform_6(%arg0: i32) -> (i32, i32) {
    %c0_i32 = arith.constant 0 : i32
    %c0_i32_0 = arith.constant 0 : i32
    %c0_i32_1 = arith.constant 0 : i32
    return %c0_i32, %c0_i32_0 : i32, i32
  }
  func.func @transform_7(%arg0: i32) -> (i32, i32) {
    %c0_i32 = arith.constant 0 : i32
    %c0_i32_0 = arith.constant 0 : i32
    return %arg0, %c0_i32 : i32, i32
  }
  func.func @transform_8(%arg0: i32) -> (i32, i32) {
    %c0_i32 = arith.constant 0 : i32
    %c0_i32_0 = arith.constant 0 : i32
    return %arg0, %c0_i32 : i32, i32
  }
}

</mosaic_0001>

<sc_bundles>
// kernel: kernel.12.cloned.1.call-start
scs
__scs_entry_jumppad:
0x0: {  	(pc) =	sbr.rel $0x88, $3  }
0x1: {  	(tag) =	ssettag $0x0;
	lr =	simm.s32 $0x1  }
0x2: {  	[smem:$0x3F9B] =	sst lr;
	_ =	strace $0xD0000000  }
0x3: {  	_ = 	snop  }
0x4: {  	_ = 	snop  }
0x5: {  	_ = 	snop  }
0x6: {  	_ = 	snop  }
0x7: {  	_ = 	snop  }
__scs_overlays_trampoline_lowered:
0x8: {  	[smem:$0x3FAA] =	sst s0  }
0x9: {  	[smem:$0x3FAB] =	sst s1  }
0xa: {  	[smem:$0x3FAC] =	sst s2  }
0xb: {  	[smem:$0x3FAD] =	sst s3  }
0xc: {  	[smem:$0x3FAE] =	sst s4  }
0xd: {  	[smem:$0x3FAF] =	sst s5  }
0xe: {  	[smem:$0x3FB0] =	sst s6  }
0xf: {  	[smem:$0x3FB1] =	sst s7  }
0x10: {  	[smem:$0x3FB2] =	sst s8  }
0x11: {  	[smem:$0x3FB3] =	sst s9;
	s0 =	simm.s32 @!p0 $0x0  }
0x12: {  	s1 =	sld [smem:$0x3F99];
	s0 =	simm.s32 @p0 $0x1  }
0x13: {  	[smem:$0x3FB4] =	sst s0;
	s0 =	simm.s32 @!p1 $0x0  }
0x14: {  	s2 =	sld [smem:$0x3F98];
	s0 =	simm.s32 @p1 $0x1  }
0x15: {  	[smem:$0x3FB5] =	sst s0;
	s0 =	simm.s32 @!p2 $0x0  }
0x16: {  	s3 =	sld [smem:$0x3FDB];
	s0 =	simm.s32 @p2 $0x1  }
0x17: {  	s4 =	simm.s32 $0x1BF5;
	[smem:$0x3FB7] =	sst s0  }
0x18: {  	s0 =	sld [smem:$0x3F9A];
	_ =	swait.ge [sflag:s4], $0x0  }
0x19: {  	s7 =	sld [smem:$0x3F9B]  }
0x1a: {  	s8 =	sadd.s32 $0xFFFFE003, lr  }
0x1b: {  	s9 =	sadd.s32 $0xFFFFFEF7, lr;
	s5 =	simm.s32 $0xFFFFFFFF;
	p2 =	slt.u32 s8, $0xFFFFF086  }
0x1c: {  	p1 =	slt.u32 s9, $0xF7A;
	s5 =	simm.s32 @!p2 $0x0  }
0x1d: {  	s5 =	simm.s32 @p1 $0x1;
	p0 =	seq.s32 s7, s2  }
0x1e: {  	s7 =	smul.u32 @!p0 $0xF7A, s2;
	p2 =	seq.s32 @!p0 s5, $0x0  }
0x1f: {  	s9 =	smul.u32 $0xF7A, s1;
	s8 =	simm.s32 @!p0 $0x1BF5;
	p2 =	por !p2, p0  }
0x20: {  	[sflag:s8] =	ssyncset.s32 @!p0 $0xFFFFF086;
	s6 =	sadd.s32 @!p0 s3, s7;
	s7 =	simm.s32 @!p0 $0x108  }
0x21: {  	s3 =	sadd.s32 s3, s9;
	s6 =	sadd.s32 @!p0 $0x88, s6;
	s7 =	simm.s32 @p2 $0x1082  }
0x22: {  	[simem:s7], [sflag:s8] =	dma.local @!p0 [hbm:s6], $0xF7A  }
0x23: {  	s9 =	sor.u32 $0xD0000000, s2;
	s6 =	simm.s32 $0x108;
	_ =	swait.ge @!p0 [sflag:s8], $0x0  }
0x24: {  	s3 =	sadd.s32 $0x88, s3;
	s6 =	simm.s32 @!p1 $0x1082;
	[sflag:s4] =	ssyncset.s32 $0xFFFFF086  }
0x25: {  	[simem:s6], [sflag:s4] =	dma.local [hbm:s3], $0xF7A  }
0x26: {  	[smem:$0x3F9B] =	sst s1;
	(tag) =	ssettag s2;
	_ =	strace s9  }
0x27: {  	s1 =	sld [smem:$0x3FAB]  }
0x28: {  	s2 =	sld [smem:$0x3FAC]  }
0x29: {  	s4 =	sld [smem:$0x3FAE]  }
0x2a: {  	p0 =	seq.s32 s5, $0x0;
	s5 =	sld [smem:$0x3FAF]  }
0x2b: {  	s6 =	sld [smem:$0x3FB0]  }
0x2c: {  	s7 =	sld [smem:$0x3FB1]  }
0x2d: {  	s3 =	simm.s32 $0x108;
	s8 =	sld [smem:$0x3FB2]  }
0x2e: {  	s3 =	simm.s32 @!p0 $0x1082;
	s9 =	sld [smem:$0x3FB3]  }
0x2f: {  	lr =	sadd.s32 s0, s3;
	s0 =	sld [smem:$0x3FAA]  }
0x30: {  	s3 =	sld [smem:$0x3FAD]  }
0x31: {  	[smem:$0x3FB6] =	sst s10  }
0x32: {  	s10 =	sld [smem:$0x3FB4];
	_ =	sdelay $0x3  }
0x33: {  	p0 =	seq.s32 s10, $0x1;
	s10 =	sld [smem:$0x3FB6];
	_ =	sdelay $0x3  }
0x34: {  	[smem:$0x3FB6] =	sst s10  }
0x35: {  	s10 =	sld [smem:$0x3FB5];
	_ =	sdelay $0x3  }
0x36: {  	p1 =	seq.s32 s10, $0x1;
	s10 =	sld [smem:$0x3FB6];
	_ =	sdelay $0x3  }
0x37: {  	[smem:$0x3FB6] =	sst s10  }
0x38: {  	s10 =	sld [smem:$0x3FB7]  }
0x39: {  	_ = 	snop;
	(pc) =	sbr.ind lr, $3  }
0x3a: {  	_ = 	snop  }
0x3b: {  	_ = 	snop  }
0x3c: {  	p2 =	seq.s32 s10, $0x1;
	s10 =	sld [smem:$0x3FB6]  }
0x3d: {  	_ =	shalt  }
0x3e: {  	_ =	shalt  }
0x3f: {  	_ =	shalt  }
0x40: {  	_ =	shalt  }
0x41: {  	_ =	shalt  }
0x42: {  	_ =	shalt  }
0x43: {  	_ =	shalt  }
0x44: {  	_ =	shalt  }
0x45: {  	_ =	shalt  }
0x46: {  	_ =	shalt  }
0x47: {  	_ =	shalt  }
0x48: {  	_ =	shalt  }
0x49: {  	_ =	shalt  }
0x4a: {  	_ =	shalt  }
0x4b: {  	_ =	shalt  }
0x4c: {  	_ =	shalt  }
0x4d: {  	_ =	shalt  }
0x4e: {  	_ =	shalt  }
0x4f: {  	_ =	shalt  }
0x50: {  	_ =	shalt  }
0x51: {  	_ =	shalt  }
0x52: {  	_ =	shalt  }
0x53: {  	_ =	shalt  }
0x54: {  	_ =	shalt  }
0x55: {  	_ =	shalt  }
0x56: {  	_ =	shalt  }
0x57: {  	_ =	shalt  }
0x58: {  	_ =	shalt  }
0x59: {  	_ =	shalt  }
0x5a: {  	_ =	shalt  }
0x5b: {  	_ =	shalt  }
0x5c: {  	_ =	shalt  }
0x5d: {  	_ =	shalt  }
0x5e: {  	_ =	shalt  }
0x5f: {  	_ =	shalt  }
0x60: {  	_ =	shalt  }
0x61: {  	_ =	shalt  }
0x62: {  	_ =	shalt  }
0x63: {  	_ =	shalt  }
0x64: {  	_ =	shalt  }
0x65: {  	_ =	shalt  }
0x66: {  	_ =	shalt  }
0x67: {  	_ =	shalt  }
0x68: {  	_ =	shalt  }
0x69: {  	_ =	shalt  }
0x6a: {  	_ =	shalt  }
0x6b: {  	_ =	shalt  }
0x6c: {  	_ =	shalt  }
0x6d: {  	_ =	shalt  }
0x6e: {  	_ =	shalt  }
0x6f: {  	_ =	shalt  }
0x70: {  	_ =	shalt  }
0x71: {  	_ =	shalt  }
0x72: {  	_ =	shalt  }
0x73: {  	_ =	shalt  }
0x74: {  	_ =	shalt  }
0x75: {  	_ =	shalt  }
0x76: {  	_ =	shalt  }
0x77: {  	_ =	shalt  }
0x78: {  	_ =	shalt  }
0x79: {  	_ =	shalt  }
0x7a: {  	_ =	shalt  }
0x7b: {  	_ =	shalt  }
0x7c: {  	_ =	shalt  }
0x7d: {  	_ =	shalt  }
0x7e: {  	_ =	shalt  }
0x7f: {  	_ =	shalt  }
0x80: {  	_ =	shalt  }
0x81: {  	_ =	shalt  }
0x82: {  	_ =	shalt  }
0x83: {  	_ =	shalt  }
0x84: {  	_ =	shalt  }
0x85: {  	_ =	shalt  }
0x86: {  	_ =	shalt  }
0x87: {  	_ =	shalt  }
.Lfunc_end0:
.L_simem_size_0:
called_computation.1_lowered:
.L_overlay_start_0:
0x88: {  	s2 =	sld [smem:$0x3FD9]  }
0x89: {  	s3 =	sld [smem:$0x3FFE];
	_ =	sdelay $0x1  }
0x8a: {  	s1 =	srdreg.scid  }
0x8b: {  	s0 =	sand.u32 $0x1, s1  }
0x8c: {  	s17 =	sshll.u32 s0, $0xA;
	s2 =	sadd.s32 s3, s2  }
0x8d: {  	s2 =	sadd.s32 s2, s17  }
0x8e: {  	[smem:$0x3FC2] =	sst s2  }
0x8f: {  	_ = 	snop  }
0x90: {  	s2 =	sld [smem:$0x3FD0];
	(tm) =	ssettm $0x1  }
0x91: {  	s18 =	sld [smem:$0x3FFB];
	_ =	sdelay $0x3  }
0x92: {  	_ =	strace s18  }
0x93: {  	s3 =	sld [smem:$0x3FFC];
	_ =	sdelay $0x3  }
0x94: {  	_ =	strace s3  }
0x95: {  	s3 =	sld [smem:$0x3FFD];
	_ =	sdelay $0x3  }
0x96: {  	_ =	strace s3  }
0x97: {  	_ =	strace $0x8FFFFFFF  }
0x98: {  	s19 =	sld [smem:$0x3FDB];
	_ =	sdelay $0x1  }
0x99: {  	s4 =	simm.s32 $_scs_section_size  }
0x9a: {  	s5 =	simm.s32 $_size__tile_overlayer_lowered;
	s6 =	simm.s32 $_tile_overlayer_lowered  }
0x9b: {  	s22 =	simm.s32 $0x1BFF;
	s21 =	sshll.u32 s6, $0x1;
	s3 =	sadd.s32 s4, s19  }
0x9c: {  	s7 =	simm.s32 $0x0;
	s20 =	sshll.u32 s5, $0x1;
	s5 =	sadd.s32 s21, s3  }
0x9d: {  	[timem:s7], [sflag:s22] =	dma.local [hbm:s5], s20  }
0x9e: {  	_ =	swait.ge [sflag:s22], s20  }
0x9f: {  	s4 =	ssub.s32 $0x0, s20;
	[sflag:s22] =	ssyncset.done $0x0  }
0xa0: {  	[sflag:s22] =	ssyncadd.s32 s4;
	_ =	sdelay $0x1  }
0xa1: {  	s23 =	simm.s32 $0x1B8B  }
0xa2: {  	_ =	swait.ge [sflag:s23], $0x1  }
0xa3: {  	[sflag:s23] =	ssyncset.done $0x0  }
0xa4: {  	s25 =	simm.s32 $0x1B8E;
	s24 =	sld [smem:$0x3FFE];
	[sflag:s23] =	ssyncadd.s32 $0xFFFFFFFF  }
0xa5: {  	s26 =	simm.s32 $execute0_lowered;
	[smem:$0x3FD2] =	sst s25  }
0xa6: {  	s5 =	sshll.u32 s26, $0x1;
	_ =	strace $0x80000049;
	[dreg:$0x1] =	wrdreg $0xFFFFFFFF  }
0xa7: {  	s28 =	simm.s32 $_size_execute0_lowered;
	s3 =	sadd.s32 s3, s5;
	[dreg:$0x0] =	wrdreg $0x0  }
0xa8: {  	s5 =	sshll.u32 s28, $0x1;
	[dreg:$0x2] =	wrdreg s3  }
0xa9: {  	[dreg:$0x3] =	wrdreg s5  }
0xaa: {  	[dreg:$0x4] =	wrdreg $0xC0  }
0xab: {  	_ =	task [dreg:s7], $0x5FFFF  }
0xac: {  	[dreg:$0x1] =	wrdreg $0xFFFFFFFF  }
0xad: {  	[dreg:$0x0] =	wrdreg $0x60  }
0xae: {  	[dreg:$0x2] =	wrdreg s24  }
0xaf: {  	[dreg:$0x3] =	wrdreg s2  }
0xb0: {  	[dreg:$0x4] =	wrdreg $0x0  }
0xb1: {  	[dreg:$0x5] =	wrdreg $0x9  }
0xb2: {  	_ =	task.clear_ibuf [dreg:s7], $0x6FFFF;
	_ =	strace $0x90000049  }
0xb3: {  	s29 =	simm.s32 $0x9;
	_ =	strace $0x8000004B  }
0xb4: {  	_ =	swait.ge [sflag:s29], $0x1  }
0xb5: {  	[sflag:s29] =	ssyncadd.s32 $0xFFFFFFFF  }
0xb6: {  	_ =	strace $0x9000004B  }
0xb7: {  	_ =	sfence  }
0xb8: {  	s30 =	sld [smem:$0x0];
	_ =	sdelay $0x2  }
0xb9: {  	s31 =	sshll.u32 s1, $0xD;
	s1 =	sshrl.u32 s1, $0x2  }
0xba: {  	s3 =	sand.u32 $0x4000, s31;
	s1 =	sadd.s32 s1, s30  }
0xbb: {  	s0 =	sor.u32 s3, s0;
	s1 =	sshll.u32 s1, $0x11  }
0xbc: {  	s0 =	sor.u32 s1, s0  }
0xbd: {  	s0 =	sadd.s32 $0x8F2B, s0  }
0xbe: {  	[sflag:s0] =	ssyncadd.remote.s32 $0x1  }
0xbf: {  	_ =	sfence.sel $0xFFFF  }
0xc0: {  	[dreg:$0x0] =	wrdreg $0xFFFFFFFF;
	(pc) =	sbr.abs _section_cstart, $3  }
0xc1: {  	[dreg:$0x1] =	wrdreg $0xFFFFFFFF  }
0xc2: {  	_ =	task.clear_ibuf [dreg:s7], $0x2FFFF;
	_ =	strace $0x9FFFFFFF  }
0xc3: {  	(tm) =	ssettm $0x7FFFFFFF  }
tec
execute0_lowered:
.L_overlay_start_1:
0x0: {  	(tag) =	ssettag $0x1  }
0x1: {  	s6 =	rddreg [dreg:$0x0]  }
0x2: {  	s13 =	rddreg [dreg:$0x1]  }
0x3: {  	s2 =	rddreg [dreg:$0x2]  }
0x4: {  	s4 =	srdreg.scid;
	s0 =	stileid.u32  }
0x5: {  	s3 =	simm.s32 $0x0;
	s19 =	simm.s32 $0x18B20;
	s20 =	simm.s32 $0x19480  }
0x6: {  	s21 =	simm.s32 $0x1;
	s22 =	simm.s32 $0x320;
	s23 =	simm.s32 $0x2  }
0x7: {  	s24 =	simm.s32 $0x3;
	s25 =	simm.s32 $0x0;
	s7 =	sand.u32 $0x1, s4  }
0x8: {  	s8 =	smul.u32 $0x18800, s0;
	[smem:$0x7FF] =	sst s3;
	s4 =	sadd.s32 $0xCCA00, s6  }
0x9: {  	s14 =	sadd.s32 $0x2600, s6;
	s15 =	sshll.u32 s0, $0x6;
	s16 =	smul.u32 $0x186A0, s0  }
0xa: {  	s5 =	smul.u32 $0x188000, s7;
	s9 =	sshll.u32 s7, $0x4;
	_ =	strace $0x8000004A  }
0xb: {  	s26 =	ssub.s32 $0x2, s7;
	s28 =	smul.u32 $0x186A00, s7;
	s9 =	sor.u32 s0, s9  }
0xc: {  	s29 =	sshrl.u32 s26, $0x1;
	s10 =	sadd.s32 s8, s5;
	s11 =	smul.u32 $0x30D4, s9  }
0xd: {  	s18 =	sadd.s32 s8, s2;
	s9 =	smul.u32 $0x186A0, s9;
	s10 =	sshrl.u32 s10, $0x3  }
0xe: {  	s5 =	sadd.s32 $0x64200, s6;
	s17 =	ssub.s32 s26, s29;
	s12 =	sadd.s32 s10, s6  }
0xf: {  	s6 =	sor.u32 $0x1C04, s15;
	s7 =	sadd.s32 s14, s11;
	s9 =	sshrl.u32 s9, $0x3  }
0x10: {  	s10 =	sadd.s32 s16, s28;
	s8 =	sadd.s32 s13, s11;
	s16 =	simm.s32 $0x4  }
0x11: {  	s30 =	sadd.s32 $0x64, s9;
	s31 =	sadd.s32 $0x640, s10;
	s11 =	sadd.s32 $0xFDA00, s12  }
0x12: {  	s12 =	smax.u32 s17, $0x1;
	s17 =	simm.s32 $0x18800;
	s15 =	sshrl.u32 s31, $0x3  }
0x13: {  	s9 =	sadd.s32 s14, s30;
	s10 =	sadd.s32 s13, s30;
	s13 =	sadd.s32 s15, s13  }
0x14: {  	s14 =	sadd.s32 s15, s14;
	s15 =	sshrl.u32 s18, $0x3;
	s18 =	simm.s32 $0x19160  }
.LBB2_1:
0x15: {  	[spmem:s15], [sflag:s6] =	dma.local [hbm:s5], $0x3100  }
0x16: {  	_ =	swait.ge [sflag:s16], $0x3100  }
0x17: {  	[sflag:s16] =	ssyncset.done $0x0  }
0x18: {  	[sflag:s16] =	ssyncadd.s32 $0xFFFFCF00  }
0x19: {  	[bflag:$0x0] =	sbarrier.arrive $0xFFFF  }
0x1a: {  	[tilespmem:s17], [sflag:$0x1] =	stream.linear.gather [hbm4b:s7+s3], $0x320, $0x38;
	[tilespmem:$0x1FEC0] =	vst v63  }
0x1b: {  	_ = 	snop  }
0x1c: {  	[tilespmem:s18], [sflag:$0x1] =	stream.linear.gather [hbm4b:s8+s3], $0x320, $0x38;
	[tilespmem:$0x1FEC0] =	vst v63  }
0x1d: {  	_ = 	snop  }
0x1e: {  	[tilespmem:s19], [sflag:$0x1] =	stream.linear.gather [hbm4b:s9+s3], $0x320, $0x38;
	[tilespmem:$0x1FEC0] =	vst v63  }
0x1f: {  	s26 =	smov.u32 s14;
	s28 =	smov.u32 s13;
	s29 =	simm.s32 $0x0  }
0x20: {  	[tilespmem:s20], [sflag:$0x1] =	stream.linear.gather [hbm4b:s10+s3], $0x320, $0x38;
	[tilespmem:$0x1FEC0] =	vst v63  }
.LBB2_2:
0x21: {  	s30 =	smul.u32 $0xAB, s29;
	_ =	sdelay $0x1  }
0x22: {  	s30 =	sshrl.u32 s30, $0x9  }
0x23: {  	s30 =	sand.u32 $0x7F, s30  }
0x24: {  	s30 =	smul.u32 $0x3, s30  }
0x25: {  	_ =	swait.ge [sflag:s21], $0x320  }
0x26: {  	s31 =	sand.u32 $0x1, s29;
	[sflag:s21] =	ssyncset.done $0x0;
	s30 =	ssub.s32 s29, s30  }
0x27: {  	p0 =	seq.s32 s31, $0x1;
	[sflag:s21] =	ssyncadd.s32 $0xFFFFFCE0;
	s30 =	sand.u32 $0xFF, s30  }
0x28: {  	s31 =	simm.s32 $0x1CCC0;
	_ =	swait.ge [sflag:s21], $0x320;
	s30 =	smul.u32 $0x320, s30  }
0x29: {  	s31 =	simm.s32 @!p0 $0x19AC0;
	[sflag:s21] =	ssyncset.done $0x0  }
0x2a: {  	p0 =	seq.s32 s29, $0x0;
	[sflag:s21] =	ssyncadd.s32 $0xFFFFFCE0;
	s0 =	sadd.s32 $0x18800, s30  }
0x2b: {  	[tilespmem:s31], [sflag:$0x2] =	stream.indirect.gather [hbm4b:s4+s22], $0x10, s0, s22, $0xb8;
	[tilespmem:$0x1FEC0] =	vst v63  }
0x2c: {  	s0 =	simm.s32 @!p0 $0x3  }
0x2d: {  	p1 =	sgt.u32 @!p0 s29, $0x7A;
	_ =	swait.ge @!p0 [sflag:s0], $0x3200  }
0x2e: {  	p1 =	por p0, !p1;
	[sflag:s0] =	ssyncset.done @!p0 $0x0  }
0x2f: {  	[sflag:s0] =	ssyncadd.s32 @!p0 $0xFFFFCE00;
	s0 =	sadd.s32 @p1 $0x2, s29  }
0x30: {  	s1 =	sand.u32 @p1 $0xFF, s0  }
0x31: {  	s1 =	smul.u32 @p1 $0xAB, s1;
	_ =	sdelay $0x1  }
0x32: {  	s1 =	sshrl.u32 @p1 s1, $0x9  }
0x33: {  	s1 =	smul.u32 @p1 $0x3, s1;
	_ =	sdelay $0x1  }
0x34: {  	s0 =	ssub.s32 @p1 s0, s1  }
0x35: {  	s0 =	sand.u32 @p1 $0xFF, s0  }
0x36: {  	s0 =	smul.u32 @p1 $0x320, s0;
	_ =	sdelay $0x1  }
0x37: {  	s29 =	sadd.s32 $0x1, s29;
	s1 =	sadd.s32 @p1 $0x18800, s0  }
0x38: {  	[tilespmem:s1], [sflag:$0x1] =	stream.linear.gather @p1 [hbm4b:s26+s3], $0x320, $0x38;
	[tilespmem:$0x1FEC0] =	vst v63  }
0x39: {  	p0 =	sne.s32 s29, $0x7D;
	s0 =	sadd.s32 @p1 $0x19160, s0  }
0x3a: {  	[tilespmem:s0], [sflag:$0x1] =	stream.linear.gather @p1 [hbm4b:s28+s3], $0x320, $0x38;
	[tilespmem:$0x1FEC0] =	vst v63  }
.Ltmp0:
0x3b: {  	_ = 	snop;
	(pc) =	sbr.rel @p0 .LBB2_2-.Ltmp0, $4  }
0x3c: {  	_ =	swait.ge [sflag:s23], $0x3200  }
0x3d: {  	s30 =	sadd.s32 $0x19160, s30;
	[sflag:s23] =	ssyncset.done $0x0  }
0x3e: {  	s26 =	sadd.s32 $0x64, s26;
	s28 =	sadd.s32 $0x64, s28;
	[sflag:s23] =	ssyncadd.s32 $0xFFFFCE00  }
0x3f: {  	[spmem:s2] =	stream.indirect.scatter.add.f32 [tilespmem:s31], [sflag:$0x3], $0x10, s30, s22, $0xb8;
	[tilespmem:$0x1FEC0] =	vst v63  }
0x40: {  	_ =	swait.ge [sflag:s24], $0x3200  }
0x41: {  	s25 =	sadd.s32 $0x1, s25;
	[sflag:s24] =	ssyncset.done $0x0  }
0x42: {  	p0 =	sne.s32 s25, s12;
	[sflag:s24] =	ssyncadd.s32 $0xFFFFCE00  }
.Ltmp1:
0x43: {  	[bflag:$0x0] =	sbarrier.arrive $0xFFFF;
	(pc) =	sbr.rel @p0 .LBB2_1-.Ltmp1, $4  }
0x44: {  	[hbm:s11], [sflag:s6] =	dma.local [spmem:s15], $0x3100  }
0x45: {  	_ =	swait.ge [sflag:s16], $0x3100  }
0x46: {  	[sflag:s16] =	ssyncset.done $0x0  }
0x47: {  	[sflag:s16] =	ssyncadd.s32 $0xFFFFCF00  }
0x48: {  	_ =	sfence.sel $0x180000  }
0x49: {  	[bflag:$0x0] =	sbarrier.arrive $0xFFFF  }
0x4a: {  	_ =	strace $0x9000004A  }
0x4b: {  	s0 =	stileid.u32;
	[bflag:$0x2] =	sbarrier.arrive $0xFFFF  }
0x4c: {  	p0 =	sne.s32 s0, $0x0;
	s0 =	rddreg [dreg:$0x3]  }
0x4d: {  	s0 =	sadd.s32 @!p0 $0x100000, s0  }
0x4e: {  	[sflag:s0] =	ssyncadd.tile.s32 @!p0 $0x1;
	_ =	shalt  }
.Lfunc_end2:
_tile_overlayer_lowered:
.L_overlay_start_2:
0x4f: {  	(tag) =	ssettag $0x2  }
0x50: {  	s0 =	rddreg [dreg:$0x0];
	s2 =	stileid.u32  }
0x51: {  	s1 =	rddreg [dreg:$0x1];
	p0 =	sne.s32 s2, $0x0  }
0x52: {  	s3 =	rddreg [dreg:$0x2];
	[bflag:$0x3] =	sbarrier.arrive $0xFFFF;
	s2 =	simm.s32 @!p0 $0x1C04  }
0x53: {  	[timem:s3], [sflag:s2] =	dma.local @!p0 [hbm:s0], s1  }
0x54: {  	s0 =	simm.s32 @!p0 $0x4  }
0x55: {  	_ =	swait.ge @!p0 [sflag:s0], s1  }
0x56: {  	s1 =	ssub.s32 @!p0 $0x0, s1;
	[sflag:s0] =	ssyncset.done @!p0 $0x0  }
0x57: {  	[sflag:s0] =	ssyncadd.s32 @!p0 s1  }
0x58: {  	[bflag:$0x3] =	sbarrier.arrive $0xFFFF  }
0x59: {  	_ =	shalt  }

// kernel: kernel.15.cloned.1.call-start
scs
__scs_entry_jumppad:
0x0: {  	(pc) =	sbr.rel $0x88, $3  }
0x1: {  	(tag) =	ssettag $0x0;
	lr =	simm.s32 $0x1  }
0x2: {  	[smem:$0x3F9B] =	sst lr;
	_ =	strace $0xD0000000  }
0x3: {  	_ = 	snop  }
0x4: {  	_ = 	snop  }
0x5: {  	_ = 	snop  }
0x6: {  	_ = 	snop  }
0x7: {  	_ = 	snop  }
__scs_overlays_trampoline_lowered:
0x8: {  	[smem:$0x3FAA] =	sst s0  }
0x9: {  	[smem:$0x3FAB] =	sst s1  }
0xa: {  	[smem:$0x3FAC] =	sst s2  }
0xb: {  	[smem:$0x3FAD] =	sst s3  }
0xc: {  	[smem:$0x3FAE] =	sst s4  }
0xd: {  	[smem:$0x3FAF] =	sst s5  }
0xe: {  	[smem:$0x3FB0] =	sst s6  }
0xf: {  	[smem:$0x3FB1] =	sst s7  }
0x10: {  	[smem:$0x3FB2] =	sst s8  }
0x11: {  	[smem:$0x3FB3] =	sst s9;
	s0 =	simm.s32 @!p0 $0x0  }
0x12: {  	s1 =	sld [smem:$0x3F99];
	s0 =	simm.s32 @p0 $0x1  }
0x13: {  	[smem:$0x3FB4] =	sst s0;
	s0 =	simm.s32 @!p1 $0x0  }
0x14: {  	s2 =	sld [smem:$0x3F98];
	s0 =	simm.s32 @p1 $0x1  }
0x15: {  	[smem:$0x3FB5] =	sst s0;
	s0 =	simm.s32 @!p2 $0x0  }
0x16: {  	s3 =	sld [smem:$0x3FDB];
	s0 =	simm.s32 @p2 $0x1  }
0x17: {  	s4 =	simm.s32 $0x1BF5;
	[smem:$0x3FB7] =	sst s0  }
0x18: {  	s0 =	sld [smem:$0x3F9A];
	_ =	swait.ge [sflag:s4], $0x0  }
0x19: {  	s7 =	sld [smem:$0x3F9B]  }
0x1a: {  	s8 =	sadd.s32 $0xFFFFE003, lr  }
0x1b: {  	s9 =	sadd.s32 $0xFFFFFEF7, lr;
	s5 =	simm.s32 $0xFFFFFFFF;
	p2 =	slt.u32 s8, $0xFFFFF086  }
0x1c: {  	p1 =	slt.u32 s9, $0xF7A;
	s5 =	simm.s32 @!p2 $0x0  }
0x1d: {  	s5 =	simm.s32 @p1 $0x1;
	p0 =	seq.s32 s7, s2  }
0x1e: {  	s7 =	smul.u32 @!p0 $0xF7A, s2;
	p2 =	seq.s32 @!p0 s5, $0x0  }
0x1f: {  	s9 =	smul.u32 $0xF7A, s1;
	s8 =	simm.s32 @!p0 $0x1BF5;
	p2 =	por !p2, p0  }
0x20: {  	[sflag:s8] =	ssyncset.s32 @!p0 $0xFFFFF086;
	s6 =	sadd.s32 @!p0 s3, s7;
	s7 =	simm.s32 @!p0 $0x108  }
0x21: {  	s3 =	sadd.s32 s3, s9;
	s6 =	sadd.s32 @!p0 $0x88, s6;
	s7 =	simm.s32 @p2 $0x1082  }
0x22: {  	[simem:s7], [sflag:s8] =	dma.local @!p0 [hbm:s6], $0xF7A  }
0x23: {  	s9 =	sor.u32 $0xD0000000, s2;
	s6 =	simm.s32 $0x108;
	_ =	swait.ge @!p0 [sflag:s8], $0x0  }
0x24: {  	s3 =	sadd.s32 $0x88, s3;
	s6 =	simm.s32 @!p1 $0x1082;
	[sflag:s4] =	ssyncset.s32 $0xFFFFF086  }
0x25: {  	[simem:s6], [sflag:s4] =	dma.local [hbm:s3], $0xF7A  }
0x26: {  	[smem:$0x3F9B] =	sst s1;
	(tag) =	ssettag s2;
	_ =	strace s9  }
0x27: {  	s1 =	sld [smem:$0x3FAB]  }
0x28: {  	s2 =	sld [smem:$0x3FAC]  }
0x29: {  	s4 =	sld [smem:$0x3FAE]  }
0x2a: {  	p0 =	seq.s32 s5, $0x0;
	s5 =	sld [smem:$0x3FAF]  }
0x2b: {  	s6 =	sld [smem:$0x3FB0]  }
0x2c: {  	s7 =	sld [smem:$0x3FB1]  }
0x2d: {  	s3 =	simm.s32 $0x108;
	s8 =	sld [smem:$0x3FB2]  }
0x2e: {  	s3 =	simm.s32 @!p0 $0x1082;
	s9 =	sld [smem:$0x3FB3]  }
0x2f: {  	lr =	sadd.s32 s0, s3;
	s0 =	sld [smem:$0x3FAA]  }
0x30: {  	s3 =	sld [smem:$0x3FAD]  }
0x31: {  	[smem:$0x3FB6] =	sst s10  }
0x32: {  	s10 =	sld [smem:$0x3FB4];
	_ =	sdelay $0x3  }
0x33: {  	p0 =	seq.s32 s10, $0x1;
	s10 =	sld [smem:$0x3FB6];
	_ =	sdelay $0x3  }
0x34: {  	[smem:$0x3FB6] =	sst s10  }
0x35: {  	s10 =	sld [smem:$0x3FB5];
	_ =	sdelay $0x3  }
0x36: {  	p1 =	seq.s32 s10, $0x1;
	s10 =	sld [smem:$0x3FB6];
	_ =	sdelay $0x3  }
0x37: {  	[smem:$0x3FB6] =	sst s10  }
0x38: {  	s10 =	sld [smem:$0x3FB7]  }
0x39: {  	_ = 	snop;
	(pc) =	sbr.ind lr, $3  }
0x3a: {  	_ = 	snop  }
0x3b: {  	_ = 	snop  }
0x3c: {  	p2 =	seq.s32 s10, $0x1;
	s10 =	sld [smem:$0x3FB6]  }
0x3d: {  	_ =	shalt  }
0x3e: {  	_ =	shalt  }
0x3f: {  	_ =	shalt  }
0x40: {  	_ =	shalt  }
0x41: {  	_ =	shalt  }
0x42: {  	_ =	shalt  }
0x43: {  	_ =	shalt  }
0x44: {  	_ =	shalt  }
0x45: {  	_ =	shalt  }
0x46: {  	_ =	shalt  }
0x47: {  	_ =	shalt  }
0x48: {  	_ =	shalt  }
0x49: {  	_ =	shalt  }
0x4a: {  	_ =	shalt  }
0x4b: {  	_ =	shalt  }
0x4c: {  	_ =	shalt  }
0x4d: {  	_ =	shalt  }
0x4e: {  	_ =	shalt  }
0x4f: {  	_ =	shalt  }
0x50: {  	_ =	shalt  }
0x51: {  	_ =	shalt  }
0x52: {  	_ =	shalt  }
0x53: {  	_ =	shalt  }
0x54: {  	_ =	shalt  }
0x55: {  	_ =	shalt  }
0x56: {  	_ =	shalt  }
0x57: {  	_ =	shalt  }
0x58: {  	_ =	shalt  }
0x59: {  	_ =	shalt  }
0x5a: {  	_ =	shalt  }
0x5b: {  	_ =	shalt  }
0x5c: {  	_ =	shalt  }
0x5d: {  	_ =	shalt  }
0x5e: {  	_ =	shalt  }
0x5f: {  	_ =	shalt  }
0x60: {  	_ =	shalt  }
0x61: {  	_ =	shalt  }
0x62: {  	_ =	shalt  }
0x63: {  	_ =	shalt  }
0x64: {  	_ =	shalt  }
0x65: {  	_ =	shalt  }
0x66: {  	_ =	shalt  }
0x67: {  	_ =	shalt  }
0x68: {  	_ =	shalt  }
0x69: {  	_ =	shalt  }
0x6a: {  	_ =	shalt  }
0x6b: {  	_ =	shalt  }
0x6c: {  	_ =	shalt  }
0x6d: {  	_ =	shalt  }
0x6e: {  	_ =	shalt  }
0x6f: {  	_ =	shalt  }
0x70: {  	_ =	shalt  }
0x71: {  	_ =	shalt  }
0x72: {  	_ =	shalt  }
0x73: {  	_ =	shalt  }
0x74: {  	_ =	shalt  }
0x75: {  	_ =	shalt  }
0x76: {  	_ =	shalt  }
0x77: {  	_ =	shalt  }
0x78: {  	_ =	shalt  }
0x79: {  	_ =	shalt  }
0x7a: {  	_ =	shalt  }
0x7b: {  	_ =	shalt  }
0x7c: {  	_ =	shalt  }
0x7d: {  	_ =	shalt  }
0x7e: {  	_ =	shalt  }
0x7f: {  	_ =	shalt  }
0x80: {  	_ =	shalt  }
0x81: {  	_ =	shalt  }
0x82: {  	_ =	shalt  }
0x83: {  	_ =	shalt  }
0x84: {  	_ =	shalt  }
0x85: {  	_ =	shalt  }
0x86: {  	_ =	shalt  }
0x87: {  	_ =	shalt  }
.Lfunc_end0:
.L_simem_size_0:
called_computation.2_lowered:
.L_overlay_start_0:
0x88: {  	s2 =	sld [smem:$0x3FD9]  }
0x89: {  	s3 =	sld [smem:$0x3FFE];
	_ =	sdelay $0x1  }
0x8a: {  	s1 =	srdreg.scid  }
0x8b: {  	s0 =	sand.u32 $0x1, s1  }
0x8c: {  	s17 =	sshll.u32 s0, $0xA;
	s2 =	sadd.s32 s3, s2  }
0x8d: {  	s2 =	sadd.s32 s2, s17  }
0x8e: {  	[smem:$0x3FC2] =	sst s2  }
0x8f: {  	_ = 	snop  }
0x90: {  	s2 =	sld [smem:$0x3FD0];
	(tm) =	ssettm $0x1  }
0x91: {  	s18 =	sld [smem:$0x3FFB];
	_ =	sdelay $0x3  }
0x92: {  	_ =	strace s18  }
0x93: {  	s3 =	sld [smem:$0x3FFC];
	_ =	sdelay $0x3  }
0x94: {  	_ =	strace s3  }
0x95: {  	s3 =	sld [smem:$0x3FFD];
	_ =	sdelay $0x3  }
0x96: {  	_ =	strace s3  }
0x97: {  	_ =	strace $0x8FFFFFFF  }
0x98: {  	s19 =	sld [smem:$0x3FDB];
	_ =	sdelay $0x1  }
0x99: {  	s4 =	simm.s32 $_scs_section_size  }
0x9a: {  	s5 =	simm.s32 $_size__tile_overlayer_lowered;
	s6 =	simm.s32 $_tile_overlayer_lowered  }
0x9b: {  	s22 =	simm.s32 $0x1BFF;
	s21 =	sshll.u32 s6, $0x1;
	s3 =	sadd.s32 s4, s19  }
0x9c: {  	s7 =	simm.s32 $0x0;
	s20 =	sshll.u32 s5, $0x1;
	s5 =	sadd.s32 s21, s3  }
0x9d: {  	[timem:s7], [sflag:s22] =	dma.local [hbm:s5], s20  }
0x9e: {  	_ =	swait.ge [sflag:s22], s20  }
0x9f: {  	s4 =	ssub.s32 $0x0, s20;
	[sflag:s22] =	ssyncset.done $0x0  }
0xa0: {  	[sflag:s22] =	ssyncadd.s32 s4;
	_ =	sdelay $0x1  }
0xa1: {  	s23 =	simm.s32 $0x1B8B  }
0xa2: {  	_ =	swait.ge [sflag:s23], $0x1  }
0xa3: {  	[sflag:s23] =	ssyncset.done $0x0  }
0xa4: {  	s25 =	simm.s32 $0x1B8E;
	s24 =	sld [smem:$0x3FFE];
	[sflag:s23] =	ssyncadd.s32 $0xFFFFFFFF  }
0xa5: {  	s26 =	simm.s32 $execute0_lowered;
	[smem:$0x3FD2] =	sst s25  }
0xa6: {  	s5 =	sshll.u32 s26, $0x1;
	_ =	strace $0x8000004C;
	[dreg:$0x1] =	wrdreg $0xFFFFFFFF  }
0xa7: {  	s28 =	simm.s32 $_size_execute0_lowered;
	s3 =	sadd.s32 s3, s5;
	[dreg:$0x0] =	wrdreg $0x0  }
0xa8: {  	s5 =	sshll.u32 s28, $0x1;
	[dreg:$0x2] =	wrdreg s3  }
0xa9: {  	[dreg:$0x3] =	wrdreg s5  }
0xaa: {  	[dreg:$0x4] =	wrdreg $0xC0  }
0xab: {  	_ =	task [dreg:s7], $0x5FFFF  }
0xac: {  	[dreg:$0x1] =	wrdreg $0xFFFFFFFF  }
0xad: {  	[dreg:$0x0] =	wrdreg $0x60  }
0xae: {  	[dreg:$0x2] =	wrdreg s24  }
0xaf: {  	[dreg:$0x3] =	wrdreg s2  }
0xb0: {  	[dreg:$0x4] =	wrdreg $0x0  }
0xb1: {  	[dreg:$0x5] =	wrdreg $0x9  }
0xb2: {  	_ =	task.clear_ibuf [dreg:s7], $0x6FFFF;
	_ =	strace $0x9000004C  }
0xb3: {  	s29 =	simm.s32 $0x9;
	_ =	strace $0x8000004E  }
0xb4: {  	_ =	swait.ge [sflag:s29], $0x1  }
0xb5: {  	[sflag:s29] =	ssyncadd.s32 $0xFFFFFFFF  }
0xb6: {  	_ =	strace $0x9000004E  }
0xb7: {  	_ =	sfence  }
0xb8: {  	s30 =	sld [smem:$0x0];
	_ =	sdelay $0x2  }
0xb9: {  	s31 =	sshll.u32 s1, $0xD;
	s1 =	sshrl.u32 s1, $0x2  }
0xba: {  	s3 =	sand.u32 $0x4000, s31;
	s1 =	sadd.s32 s1, s30  }
0xbb: {  	s0 =	sor.u32 s3, s0;
	s1 =	sshll.u32 s1, $0x11  }
0xbc: {  	s0 =	sor.u32 s1, s0  }
0xbd: {  	s0 =	sadd.s32 $0x8F2B, s0  }
0xbe: {  	[sflag:s0] =	ssyncadd.remote.s32 $0x1  }
0xbf: {  	_ =	sfence.sel $0xFFFF  }
0xc0: {  	[dreg:$0x0] =	wrdreg $0xFFFFFFFF;
	(pc) =	sbr.abs _section_cstart, $3  }
0xc1: {  	[dreg:$0x1] =	wrdreg $0xFFFFFFFF  }
0xc2: {  	_ =	task.clear_ibuf [dreg:s7], $0x2FFFF;
	_ =	strace $0x9FFFFFFF  }
0xc3: {  	(tm) =	ssettm $0x7FFFFFFF  }
tec
execute0_lowered:
.L_overlay_start_1:
0x0: {  	(tag) =	ssettag $0x1  }
0x1: {  	s6 =	rddreg [dreg:$0x0]  }
0x2: {  	s13 =	rddreg [dreg:$0x1]  }
0x3: {  	s2 =	rddreg [dreg:$0x2]  }
0x4: {  	s4 =	srdreg.scid;
	s0 =	stileid.u32  }
0x5: {  	s3 =	simm.s32 $0x0;
	s19 =	simm.s32 $0x18B20;
	s20 =	simm.s32 $0x19480  }
0x6: {  	s21 =	simm.s32 $0x1;
	s22 =	simm.s32 $0x320;
	s23 =	simm.s32 $0x2  }
0x7: {  	s24 =	simm.s32 $0x3;
	s25 =	simm.s32 $0x0;
	s7 =	sand.u32 $0x1, s4  }
0x8: {  	s8 =	smul.u32 $0x18800, s0;
	[smem:$0x7FF] =	sst s3;
	s4 =	sadd.s32 $0xCCA00, s6  }
0x9: {  	s14 =	sadd.s32 $0x2600, s6;
	s15 =	sshll.u32 s0, $0x6;
	s16 =	smul.u32 $0x186A0, s0  }
0xa: {  	s5 =	smul.u32 $0x188000, s7;
	s9 =	sshll.u32 s7, $0x4;
	_ =	strace $0x8000004D  }
0xb: {  	s26 =	ssub.s32 $0x2, s7;
	s28 =	smul.u32 $0x186A00, s7;
	s9 =	sor.u32 s0, s9  }
0xc: {  	s29 =	sshrl.u32 s26, $0x1;
	s10 =	sadd.s32 s8, s5;
	s11 =	smul.u32 $0x30D4, s9  }
0xd: {  	s18 =	sadd.s32 s8, s2;
	s9 =	smul.u32 $0x186A0, s9;
	s10 =	sshrl.u32 s10, $0x3  }
0xe: {  	s5 =	sadd.s32 $0x64200, s6;
	s17 =	ssub.s32 s26, s29;
	s12 =	sadd.s32 s10, s6  }
0xf: {  	s6 =	sor.u32 $0x1C04, s15;
	s7 =	sadd.s32 s14, s11;
	s9 =	sshrl.u32 s9, $0x3  }
0x10: {  	s10 =	sadd.s32 s16, s28;
	s8 =	sadd.s32 s13, s11;
	s16 =	simm.s32 $0x4  }
0x11: {  	s30 =	sadd.s32 $0x64, s9;
	s31 =	sadd.s32 $0x640, s10;
	s11 =	sadd.s32 $0xFDA00, s12  }
0x12: {  	s12 =	smax.u32 s17, $0x1;
	s17 =	simm.s32 $0x18800;
	s15 =	sshrl.u32 s31, $0x3  }
0x13: {  	s9 =	sadd.s32 s14, s30;
	s10 =	sadd.s32 s13, s30;
	s13 =	sadd.s32 s15, s13  }
0x14: {  	s14 =	sadd.s32 s15, s14;
	s15 =	sshrl.u32 s18, $0x3;
	s18 =	simm.s32 $0x19160  }
.LBB2_1:
0x15: {  	[spmem:s15], [sflag:s6] =	dma.local [hbm:s5], $0x3100  }
0x16: {  	_ =	swait.ge [sflag:s16], $0x3100  }
0x17: {  	[sflag:s16] =	ssyncset.done $0x0  }
0x18: {  	[sflag:s16] =	ssyncadd.s32 $0xFFFFCF00  }
0x19: {  	[bflag:$0x0] =	sbarrier.arrive $0xFFFF  }
0x1a: {  	[tilespmem:s17], [sflag:$0x1] =	stream.linear.gather [hbm4b:s7+s3], $0x320, $0x38;
	[tilespmem:$0x1FEC0] =	vst v63  }
0x1b: {  	_ = 	snop  }
0x1c: {  	[tilespmem:s18], [sflag:$0x1] =	stream.linear.gather [hbm4b:s8+s3], $0x320, $0x38;
	[tilespmem:$0x1FEC0] =	vst v63  }
0x1d: {  	_ = 	snop  }
0x1e: {  	[tilespmem:s19], [sflag:$0x1] =	stream.linear.gather [hbm4b:s9+s3], $0x320, $0x38;
	[tilespmem:$0x1FEC0] =	vst v63  }
0x1f: {  	s26 =	smov.u32 s14;
	s28 =	smov.u32 s13;
	s29 =	simm.s32 $0x0  }
0x20: {  	[tilespmem:s20], [sflag:$0x1] =	stream.linear.gather [hbm4b:s10+s3], $0x320, $0x38;
	[tilespmem:$0x1FEC0] =	vst v63  }
.LBB2_2:
0x21: {  	s30 =	smul.u32 $0xAB, s29;
	_ =	sdelay $0x1  }
0x22: {  	s30 =	sshrl.u32 s30, $0x9  }
0x23: {  	s30 =	sand.u32 $0x7F, s30  }
0x24: {  	s30 =	smul.u32 $0x3, s30  }
0x25: {  	_ =	swait.ge [sflag:s21], $0x320  }
0x26: {  	s31 =	sand.u32 $0x1, s29;
	[sflag:s21] =	ssyncset.done $0x0;
	s30 =	ssub.s32 s29, s30  }
0x27: {  	p0 =	seq.s32 s31, $0x1;
	[sflag:s21] =	ssyncadd.s32 $0xFFFFFCE0;
	s30 =	sand.u32 $0xFF, s30  }
0x28: {  	s31 =	simm.s32 $0x1CCC0;
	_ =	swait.ge [sflag:s21], $0x320;
	s30 =	smul.u32 $0x320, s30  }
0x29: {  	s31 =	simm.s32 @!p0 $0x19AC0;
	[sflag:s21] =	ssyncset.done $0x0  }
0x2a: {  	p0 =	seq.s32 s29, $0x0;
	[sflag:s21] =	ssyncadd.s32 $0xFFFFFCE0;
	s0 =	sadd.s32 $0x18800, s30  }
0x2b: {  	[tilespmem:s31], [sflag:$0x2] =	stream.indirect.gather [hbm4b:s4+s22], $0x10, s0, s22, $0xb8;
	[tilespmem:$0x1FEC0] =	vst v63  }
0x2c: {  	s0 =	simm.s32 @!p0 $0x3  }
0x2d: {  	p1 =	sgt.u32 @!p0 s29, $0x7A;
	_ =	swait.ge @!p0 [sflag:s0], $0x3200  }
0x2e: {  	p1 =	por p0, !p1;
	[sflag:s0] =	ssyncset.done @!p0 $0x0  }
0x2f: {  	[sflag:s0] =	ssyncadd.s32 @!p0 $0xFFFFCE00;
	s0 =	sadd.s32 @p1 $0x2, s29  }
0x30: {  	s1 =	sand.u32 @p1 $0xFF, s0  }
0x31: {  	s1 =	smul.u32 @p1 $0xAB, s1;
	_ =	sdelay $0x1  }
0x32: {  	s1 =	sshrl.u32 @p1 s1, $0x9  }
0x33: {  	s1 =	smul.u32 @p1 $0x3, s1;
	_ =	sdelay $0x1  }
0x34: {  	s0 =	ssub.s32 @p1 s0, s1  }
0x35: {  	s0 =	sand.u32 @p1 $0xFF, s0  }
0x36: {  	s0 =	smul.u32 @p1 $0x320, s0;
	_ =	sdelay $0x1  }
0x37: {  	s29 =	sadd.s32 $0x1, s29;
	s1 =	sadd.s32 @p1 $0x18800, s0  }
0x38: {  	[tilespmem:s1], [sflag:$0x1] =	stream.linear.gather @p1 [hbm4b:s26+s3], $0x320, $0x38;
	[tilespmem:$0x1FEC0] =	vst v63  }
0x39: {  	p0 =	sne.s32 s29, $0x7D;
	s0 =	sadd.s32 @p1 $0x19160, s0  }
0x3a: {  	[tilespmem:s0], [sflag:$0x1] =	stream.linear.gather @p1 [hbm4b:s28+s3], $0x320, $0x38;
	[tilespmem:$0x1FEC0] =	vst v63  }
.Ltmp0:
0x3b: {  	_ = 	snop;
	(pc) =	sbr.rel @p0 .LBB2_2-.Ltmp0, $4  }
0x3c: {  	_ =	swait.ge [sflag:s23], $0x3200  }
0x3d: {  	s30 =	sadd.s32 $0x19160, s30;
	[sflag:s23] =	ssyncset.done $0x0  }
0x3e: {  	s26 =	sadd.s32 $0x64, s26;
	s28 =	sadd.s32 $0x64, s28;
	[sflag:s23] =	ssyncadd.s32 $0xFFFFCE00  }
0x3f: {  	[spmem:s2] =	stream.indirect.scatter.add.f32 [tilespmem:s31], [sflag:$0x3], $0x10, s30, s22, $0xb8;
	[tilespmem:$0x1FEC0] =	vst v63  }
0x40: {  	_ =	swait.ge [sflag:s24], $0x3200  }
0x41: {  	s25 =	sadd.s32 $0x1, s25;
	[sflag:s24] =	ssyncset.done $0x0  }
0x42: {  	p0 =	sne.s32 s25, s12;
	[sflag:s24] =	ssyncadd.s32 $0xFFFFCE00  }
.Ltmp1:
0x43: {  	[bflag:$0x0] =	sbarrier.arrive $0xFFFF;
	(pc) =	sbr.rel @p0 .LBB2_1-.Ltmp1, $4  }
0x44: {  	[hbm:s11], [sflag:s6] =	dma.local [spmem:s15], $0x3100  }
0x45: {  	_ =	swait.ge [sflag:s16], $0x3100  }
0x46: {  	[sflag:s16] =	ssyncset.done $0x0  }
0x47: {  	[sflag:s16] =	ssyncadd.s32 $0xFFFFCF00  }
0x48: {  	_ =	sfence.sel $0x180000  }
0x49: {  	[bflag:$0x0] =	sbarrier.arrive $0xFFFF  }
0x4a: {  	_ =	strace $0x9000004D  }
0x4b: {  	s0 =	stileid.u32;
	[bflag:$0x2] =	sbarrier.arrive $0xFFFF  }
0x4c: {  	p0 =	sne.s32 s0, $0x0;
	s0 =	rddreg [dreg:$0x3]  }
0x4d: {  	s0 =	sadd.s32 @!p0 $0x100000, s0  }
0x4e: {  	[sflag:s0] =	ssyncadd.tile.s32 @!p0 $0x1;
	_ =	shalt  }
.Lfunc_end2:
_tile_overlayer_lowered:
.L_overlay_start_2:
0x4f: {  	(tag) =	ssettag $0x2  }
0x50: {  	s0 =	rddreg [dreg:$0x0];
	s2 =	stileid.u32  }
0x51: {  	s1 =	rddreg [dreg:$0x1];
	p0 =	sne.s32 s2, $0x0  }
0x52: {  	s3 =	rddreg [dreg:$0x2];
	[bflag:$0x3] =	sbarrier.arrive $0xFFFF;
	s2 =	simm.s32 @!p0 $0x1C04  }
0x53: {  	[timem:s3], [sflag:s2] =	dma.local @!p0 [hbm:s0], s1  }
0x54: {  	s0 =	simm.s32 @!p0 $0x4  }
0x55: {  	_ =	swait.ge @!p0 [sflag:s0], s1  }
0x56: {  	s1 =	ssub.s32 @!p0 $0x0, s1;
	[sflag:s0] =	ssyncset.done @!p0 $0x0  }
0x57: {  	[sflag:s0] =	ssyncadd.s32 @!p0 s1  }
0x58: {  	[bflag:$0x3] =	sbarrier.arrive $0xFFFF  }
0x59: {  	_ =	shalt  }

// kernel: kernel.9.cloned.1.call-start
scs
__scs_entry_jumppad:
0x0: {  	(pc) =	sbr.rel $0x88, $3  }
0x1: {  	(tag) =	ssettag $0x0;
	lr =	simm.s32 $0x1  }
0x2: {  	[smem:$0x3F9B] =	sst lr;
	_ =	strace $0xD0000000  }
0x3: {  	_ = 	snop  }
0x4: {  	_ = 	snop  }
0x5: {  	_ = 	snop  }
0x6: {  	_ = 	snop  }
0x7: {  	_ = 	snop  }
__scs_overlays_trampoline_lowered:
0x8: {  	[smem:$0x3FAA] =	sst s0  }
0x9: {  	[smem:$0x3FAB] =	sst s1  }
0xa: {  	[smem:$0x3FAC] =	sst s2  }
0xb: {  	[smem:$0x3FAD] =	sst s3  }
0xc: {  	[smem:$0x3FAE] =	sst s4  }
0xd: {  	[smem:$0x3FAF] =	sst s5  }
0xe: {  	[smem:$0x3FB0] =	sst s6  }
0xf: {  	[smem:$0x3FB1] =	sst s7  }
0x10: {  	[smem:$0x3FB2] =	sst s8  }
0x11: {  	[smem:$0x3FB3] =	sst s9;
	s0 =	simm.s32 @!p0 $0x0  }
0x12: {  	s1 =	sld [smem:$0x3F99];
	s0 =	simm.s32 @p0 $0x1  }
0x13: {  	[smem:$0x3FB4] =	sst s0;
	s0 =	simm.s32 @!p1 $0x0  }
0x14: {  	s2 =	sld [smem:$0x3F98];
	s0 =	simm.s32 @p1 $0x1  }
0x15: {  	[smem:$0x3FB5] =	sst s0;
	s0 =	simm.s32 @!p2 $0x0  }
0x16: {  	s3 =	sld [smem:$0x3FDB];
	s0 =	simm.s32 @p2 $0x1  }
0x17: {  	s4 =	simm.s32 $0x1BF5;
	[smem:$0x3FB7] =	sst s0  }
0x18: {  	s0 =	sld [smem:$0x3F9A];
	_ =	swait.ge [sflag:s4], $0x0  }
0x19: {  	s7 =	sld [smem:$0x3F9B]  }
0x1a: {  	s8 =	sadd.s32 $0xFFFFE003, lr  }
0x1b: {  	s9 =	sadd.s32 $0xFFFFFEF7, lr;
	s5 =	simm.s32 $0xFFFFFFFF;
	p2 =	slt.u32 s8, $0xFFFFF086  }
0x1c: {  	p1 =	slt.u32 s9, $0xF7A;
	s5 =	simm.s32 @!p2 $0x0  }
0x1d: {  	s5 =	simm.s32 @p1 $0x1;
	p0 =	seq.s32 s7, s2  }
0x1e: {  	s7 =	smul.u32 @!p0 $0xF7A, s2;
	p2 =	seq.s32 @!p0 s5, $0x0  }
0x1f: {  	s9 =	smul.u32 $0xF7A, s1;
	s8 =	simm.s32 @!p0 $0x1BF5;
	p2 =	por !p2, p0  }
0x20: {  	[sflag:s8] =	ssyncset.s32 @!p0 $0xFFFFF086;
	s6 =	sadd.s32 @!p0 s3, s7;
	s7 =	simm.s32 @!p0 $0x108  }
0x21: {  	s3 =	sadd.s32 s3, s9;
	s6 =	sadd.s32 @!p0 $0x88, s6;
	s7 =	simm.s32 @p2 $0x1082  }
0x22: {  	[simem:s7], [sflag:s8] =	dma.local @!p0 [hbm:s6], $0xF7A  }
0x23: {  	s9 =	sor.u32 $0xD0000000, s2;
	s6 =	simm.s32 $0x108;
	_ =	swait.ge @!p0 [sflag:s8], $0x0  }
0x24: {  	s3 =	sadd.s32 $0x88, s3;
	s6 =	simm.s32 @!p1 $0x1082;
	[sflag:s4] =	ssyncset.s32 $0xFFFFF086  }
0x25: {  	[simem:s6], [sflag:s4] =	dma.local [hbm:s3], $0xF7A  }
0x26: {  	[smem:$0x3F9B] =	sst s1;
	(tag) =	ssettag s2;
	_ =	strace s9  }
0x27: {  	s1 =	sld [smem:$0x3FAB]  }
0x28: {  	s2 =	sld [smem:$0x3FAC]  }
0x29: {  	s4 =	sld [smem:$0x3FAE]  }
0x2a: {  	p0 =	seq.s32 s5, $0x0;
	s5 =	sld [smem:$0x3FAF]  }
0x2b: {  	s6 =	sld [smem:$0x3FB0]  }
0x2c: {  	s7 =	sld [smem:$0x3FB1]  }
0x2d: {  	s3 =	simm.s32 $0x108;
	s8 =	sld [smem:$0x3FB2]  }
0x2e: {  	s3 =	simm.s32 @!p0 $0x1082;
	s9 =	sld [smem:$0x3FB3]  }
0x2f: {  	lr =	sadd.s32 s0, s3;
	s0 =	sld [smem:$0x3FAA]  }
0x30: {  	s3 =	sld [smem:$0x3FAD]  }
0x31: {  	[smem:$0x3FB6] =	sst s10  }
0x32: {  	s10 =	sld [smem:$0x3FB4];
	_ =	sdelay $0x3  }
0x33: {  	p0 =	seq.s32 s10, $0x1;
	s10 =	sld [smem:$0x3FB6];
	_ =	sdelay $0x3  }
0x34: {  	[smem:$0x3FB6] =	sst s10  }
0x35: {  	s10 =	sld [smem:$0x3FB5];
	_ =	sdelay $0x3  }
0x36: {  	p1 =	seq.s32 s10, $0x1;
	s10 =	sld [smem:$0x3FB6];
	_ =	sdelay $0x3  }
0x37: {  	[smem:$0x3FB6] =	sst s10  }
0x38: {  	s10 =	sld [smem:$0x3FB7]  }
0x39: {  	_ = 	snop;
	(pc) =	sbr.ind lr, $3  }
0x3a: {  	_ = 	snop  }
0x3b: {  	_ = 	snop  }
0x3c: {  	p2 =	seq.s32 s10, $0x1;
	s10 =	sld [smem:$0x3FB6]  }
0x3d: {  	_ =	shalt  }
0x3e: {  	_ =	shalt  }
0x3f: {  	_ =	shalt  }
0x40: {  	_ =	shalt  }
0x41: {  	_ =	shalt  }
0x42: {  	_ =	shalt  }
0x43: {  	_ =	shalt  }
0x44: {  	_ =	shalt  }
0x45: {  	_ =	shalt  }
0x46: {  	_ =	shalt  }
0x47: {  	_ =	shalt  }
0x48: {  	_ =	shalt  }
0x49: {  	_ =	shalt  }
0x4a: {  	_ =	shalt  }
0x4b: {  	_ =	shalt  }
0x4c: {  	_ =	shalt  }
0x4d: {  	_ =	shalt  }
0x4e: {  	_ =	shalt  }
0x4f: {  	_ =	shalt  }
0x50: {  	_ =	shalt  }
0x51: {  	_ =	shalt  }
0x52: {  	_ =	shalt  }
0x53: {  	_ =	shalt  }
0x54: {  	_ =	shalt  }
0x55: {  	_ =	shalt  }
0x56: {  	_ =	shalt  }
0x57: {  	_ =	shalt  }
0x58: {  	_ =	shalt  }
0x59: {  	_ =	shalt  }
0x5a: {  	_ =	shalt  }
0x5b: {  	_ =	shalt  }
0x5c: {  	_ =	shalt  }
0x5d: {  	_ =	shalt  }
0x5e: {  	_ =	shalt  }
0x5f: {  	_ =	shalt  }
0x60: {  	_ =	shalt  }
0x61: {  	_ =	shalt  }
0x62: {  	_ =	shalt  }
0x63: {  	_ =	shalt  }
0x64: {  	_ =	shalt  }
0x65: {  	_ =	shalt  }
0x66: {  	_ =	shalt  }
0x67: {  	_ =	shalt  }
0x68: {  	_ =	shalt  }
0x69: {  	_ =	shalt  }
0x6a: {  	_ =	shalt  }
0x6b: {  	_ =	shalt  }
0x6c: {  	_ =	shalt  }
0x6d: {  	_ =	shalt  }
0x6e: {  	_ =	shalt  }
0x6f: {  	_ =	shalt  }
0x70: {  	_ =	shalt  }
0x71: {  	_ =	shalt  }
0x72: {  	_ =	shalt  }
0x73: {  	_ =	shalt  }
0x74: {  	_ =	shalt  }
0x75: {  	_ =	shalt  }
0x76: {  	_ =	shalt  }
0x77: {  	_ =	shalt  }
0x78: {  	_ =	shalt  }
0x79: {  	_ =	shalt  }
0x7a: {  	_ =	shalt  }
0x7b: {  	_ =	shalt  }
0x7c: {  	_ =	shalt  }
0x7d: {  	_ =	shalt  }
0x7e: {  	_ =	shalt  }
0x7f: {  	_ =	shalt  }
0x80: {  	_ =	shalt  }
0x81: {  	_ =	shalt  }
0x82: {  	_ =	shalt  }
0x83: {  	_ =	shalt  }
0x84: {  	_ =	shalt  }
0x85: {  	_ =	shalt  }
0x86: {  	_ =	shalt  }
0x87: {  	_ =	shalt  }
.Lfunc_end0:
.L_simem_size_0:
called_computation_lowered:
.L_overlay_start_0:
0x88: {  	s2 =	sld [smem:$0x3FD9]  }
0x89: {  	s3 =	sld [smem:$0x3FFE];
	_ =	sdelay $0x1  }
0x8a: {  	s1 =	srdreg.scid  }
0x8b: {  	s0 =	sand.u32 $0x1, s1  }
0x8c: {  	s16 =	sshll.u32 s0, $0xA;
	s2 =	sadd.s32 s3, s2  }
0x8d: {  	s2 =	sadd.s32 s2, s16  }
0x8e: {  	[smem:$0x3FC2] =	sst s2  }
0x8f: {  	_ = 	snop  }
0x90: {  	(tm) =	ssettm $0x1  }
0x91: {  	s17 =	sld [smem:$0x3FFB];
	_ =	sdelay $0x3  }
0x92: {  	_ =	strace s17  }
0x93: {  	s2 =	sld [smem:$0x3FFC];
	_ =	sdelay $0x3  }
0x94: {  	_ =	strace s2  }
0x95: {  	s2 =	sld [smem:$0x3FFD];
	_ =	sdelay $0x3  }
0x96: {  	_ =	strace s2  }
0x97: {  	_ =	strace $0x8FFFFFFF  }
0x98: {  	s18 =	sld [smem:$0x3FDB];
	_ =	sdelay $0x1  }
0x99: {  	s19 =	simm.s32 $_scs_section_size  }
0x9a: {  	s4 =	simm.s32 $_size__tile_overlayer_lowered;
	s5 =	simm.s32 $_tile_overlayer_lowered  }
0x9b: {  	s22 =	simm.s32 $0x1BFF;
	s21 =	sshll.u32 s5, $0x1;
	s2 =	sadd.s32 s19, s18  }
0x9c: {  	s6 =	simm.s32 $0x0;
	s20 =	sshll.u32 s4, $0x1;
	s4 =	sadd.s32 s21, s2  }
0x9d: {  	[timem:s6], [sflag:s22] =	dma.local [hbm:s4], s20  }
0x9e: {  	_ =	swait.ge [sflag:s22], s20  }
0x9f: {  	s3 =	ssub.s32 $0x0, s20;
	[sflag:s22] =	ssyncset.done $0x0  }
0xa0: {  	[sflag:s22] =	ssyncadd.s32 s3;
	_ =	sdelay $0x1  }
0xa1: {  	s23 =	simm.s32 $0x1B8B  }
0xa2: {  	_ =	swait.ge [sflag:s23], $0x1  }
0xa3: {  	[sflag:s23] =	ssyncset.done $0x0  }
0xa4: {  	s25 =	simm.s32 $0x1B8E;
	s24 =	sld [smem:$0x3FFE];
	[sflag:s23] =	ssyncadd.s32 $0xFFFFFFFF  }
0xa5: {  	s26 =	simm.s32 $execute0_lowered;
	[smem:$0x3FD2] =	sst s25  }
0xa6: {  	s4 =	sshll.u32 s26, $0x1;
	_ =	strace $0x80000046;
	[dreg:$0x1] =	wrdreg $0xFFFFFFFF  }
0xa7: {  	s28 =	simm.s32 $_size_execute0_lowered;
	s2 =	sadd.s32 s2, s4;
	[dreg:$0x0] =	wrdreg $0x0  }
0xa8: {  	s4 =	sshll.u32 s28, $0x1;
	[dreg:$0x2] =	wrdreg s2  }
0xa9: {  	[dreg:$0x3] =	wrdreg s4  }
0xaa: {  	[dreg:$0x4] =	wrdreg $0xC0  }
0xab: {  	_ =	task [dreg:s6], $0x5FFFF  }
0xac: {  	[dreg:$0x1] =	wrdreg $0xFFFFFFFF  }
0xad: {  	[dreg:$0x0] =	wrdreg $0x60  }
0xae: {  	[dreg:$0x2] =	wrdreg s24  }
0xaf: {  	[dreg:$0x3] =	wrdreg $0x0  }
0xb0: {  	[dreg:$0x4] =	wrdreg $0x9  }
0xb1: {  	_ =	task.clear_ibuf [dreg:s6], $0x5FFFF;
	_ =	strace $0x90000046  }
0xb2: {  	s29 =	simm.s32 $0x9;
	_ =	strace $0x80000048  }
0xb3: {  	_ =	swait.ge [sflag:s29], $0x1  }
0xb4: {  	[sflag:s29] =	ssyncadd.s32 $0xFFFFFFFF  }
0xb5: {  	_ =	strace $0x90000048  }
0xb6: {  	_ =	sfence  }
0xb7: {  	s30 =	sld [smem:$0x0];
	_ =	sdelay $0x2  }
0xb8: {  	s31 =	sshll.u32 s1, $0xD;
	s1 =	sshrl.u32 s1, $0x2  }
0xb9: {  	s3 =	sand.u32 $0x4000, s31;
	s1 =	sadd.s32 s1, s30  }
0xba: {  	s0 =	sor.u32 s3, s0;
	s1 =	sshll.u32 s1, $0x11  }
0xbb: {  	s0 =	sor.u32 s1, s0  }
0xbc: {  	s0 =	sadd.s32 $0x8F2B, s0  }
0xbd: {  	[sflag:s0] =	ssyncadd.remote.s32 $0x1  }
0xbe: {  	_ =	sfence.sel $0xFFFF  }
0xbf: {  	[dreg:$0x0] =	wrdreg $0xFFFFFFFF;
	(pc) =	sbr.abs _section_cstart, $3  }
0xc0: {  	[dreg:$0x1] =	wrdreg $0xFFFFFFFF  }
0xc1: {  	_ =	task.clear_ibuf [dreg:s6], $0x2FFFF;
	_ =	strace $0x9FFFFFFF  }
0xc2: {  	(tm) =	ssettm $0x7FFFFFFF  }
0xc3: {  	_ =	shalt  }
tec
execute0_lowered:
.L_overlay_start_1:
0x0: {  	(tag) =	ssettag $0x1  }
0x1: {  	s6 =	rddreg [dreg:$0x0]  }
0x2: {  	s2 =	rddreg [dreg:$0x1]  }
0x3: {  	s0 =	rddreg [dreg:$0x2]  }
0x4: {  	s3 =	simm.s32 $0x0;
	s4 =	srdreg.scid;
	s1 =	stileid.u32  }
0x5: {  	s16 =	simm.s32 $0x2050;
	s17 =	simm.s32 $0x1;
	s18 =	simm.s32 $0x7D0  }
0x6: {  	s19 =	simm.s32 $0x2;
	s20 =	simm.s32 $0x0;
	[smem:$0x7FF] =	sst s3  }
0x7: {  	s7 =	sand.u32 $0x1, s4;
	s8 =	smul.u32 $0x1880, s1;
	s10 =	sadd.s32 $0x2600, s6  }
0x8: {  	s4 =	sadd.s32 $0x64600, s6;
	s14 =	smul.u32 $0x186A0, s1;
	s31 =	sshll.u32 s1, $0x6  }
0x9: {  	_ =	strace $0x80000047;
	s9 =	smul.u32 $0x18800, s7;
	s5 =	sshll.u32 s7, $0x4  }
0xa: {  	s13 =	ssub.s32 $0x2, s7;
	s7 =	smul.u32 $0x186A00, s7;
	s11 =	sor.u32 s1, s5  }
0xb: {  	s5 =	sadd.s32 $0x64200, s6;
	s25 =	sshrl.u32 s13, $0x1;
	s15 =	sadd.s32 s8, s2  }
0xc: {  	s9 =	sadd.s32 s8, s9;
	s12 =	smul.u32 $0x186A0, s11;
	s13 =	ssub.s32 s13, s25  }
0xd: {  	s26 =	smul.u32 $0x30D4, s11;
	s30 =	sadd.s32 s14, s7;
	s14 =	sshrl.u32 s15, $0x3  }
0xe: {  	s15 =	simm.s32 $0x1880;
	s9 =	sshrl.u32 s9, $0x3;
	s11 =	sadd.s32 $0xFA0, s30  }
0xf: {  	s9 =	sadd.s32 s9, s6;
	s28 =	sshrl.u32 s12, $0x3;
	s6 =	sadd.s32 s10, s26  }
0x10: {  	s11 =	sshrl.u32 s11, $0x3;
	s12 =	simm.s32 $0x3;
	s29 =	sadd.s32 s10, s28  }
0x11: {  	s8 =	sadd.s32 $0x64800, s9;
	s9 =	smax.u32 s13, $0x1;
	s10 =	sadd.s32 s11, s10  }
0x12: {  	s11 =	simm.s32 $0x2FF0;
	s13 =	sor.u32 $0x1C03, s31;
	s7 =	sadd.s32 $0xFA, s29  }
.LBB2_1:
0x13: {  	[tilespmem:s11], [sflag:$0x3] =	stream.linear.gather [hbm4b:s4+s3], $0x7D0, $0x38;
	[tilespmem:$0x37C0] =	vst v63  }
0x14: {  	_ =	swait.ge [sflag:s12], $0x7D0  }
0x15: {  	[sflag:s12] =	ssyncset.done $0x0  }
0x16: {  	[sflag:s12] =	ssyncadd.s32 $0xFFFFF830  }
0x17: {  	[spmem:s14], [sflag:s13] =	dma.local [hbm:s5], $0x310  }
0x18: {  	_ =	swait.ge [sflag:s12], $0x310  }
0x19: {  	[sflag:s12] =	ssyncset.done $0x0  }
0x1a: {  	[sflag:s12] =	ssyncadd.s32 $0xFFFFFCF0  }
0x1b: {  	[bflag:$0x0] =	sbarrier.arrive $0xFFFF  }
0x1c: {  	[tilespmem:s15], [sflag:$0x1] =	stream.linear.gather [hbm4b:s6+s3], $0x7D0, $0x38;
	[tilespmem:$0x37C0] =	vst v63  }
0x1d: {  	s21 =	smov.u32 s10;
	s22 =	simm.s32 $0x0  }
0x1e: {  	[tilespmem:s16], [sflag:$0x1] =	stream.linear.gather [hbm4b:s7+s3], $0x7D0, $0x38;
	[tilespmem:$0x37C0] =	vst v63  }
.LBB2_2:
0x1f: {  	_ =	swait.ge [sflag:s17], $0x7D0  }
0x20: {  	p0 =	seq.s32 s22, $0x0;
	[sflag:s17] =	ssyncset.done $0x0  }
0x21: {  	s23 =	simm.s32 @!p0 $0x2;
	[sflag:s17] =	ssyncadd.s32 $0xFFFFF830  }
0x22: {  	p1 =	sgt.u32 @!p0 s22, $0x2F;
	_ =	swait.ge @!p0 [sflag:s23], $0x7D0  }
0x23: {  	p1 =	por p0, !p1;
	[sflag:s23] =	ssyncset.done @!p0 $0x0  }
0x24: {  	[sflag:s23] =	ssyncadd.s32 @!p0 $0xFFFFF830;
	s23 =	sadd.s32 @p1 $0x2, s22  }
0x25: {  	s24 =	sand.u32 @p1 $0xFF, s23  }
0x26: {  	s24 =	smul.u32 @p1 $0xAB, s24;
	_ =	sdelay $0x1  }
0x27: {  	s24 =	sshrl.u32 @p1 s24, $0x9  }
0x28: {  	s24 =	smul.u32 @p1 $0x3, s24;
	_ =	sdelay $0x1  }
0x29: {  	s23 =	ssub.s32 @p1 s23, s24  }
0x2a: {  	s23 =	sand.u32 @p1 $0xFF, s23  }
0x2b: {  	s23 =	smul.u32 @p1 $0x1F40, s23;
	_ =	sdelay $0x1  }
0x2c: {  	s23 =	sshrl.u32 @p1 s23, $0x2  }
0x2d: {  	s31 =	smul.u32 $0xAB, s22;
	s23 =	sadd.s32 @p1 $0x1880, s23  }
0x2e: {  	[tilespmem:s23], [sflag:$0x1] =	stream.linear.gather @p1 [hbm4b:s21+s3], $0x7D0, $0x38;
	[tilespmem:$0x37C0] =	vst v63  }
0x2f: {  	s23 =	sshrl.u32 s31, $0x9  }
0x30: {  	s23 =	sand.u32 $0x7F, s23  }
0x31: {  	s23 =	smul.u32 $0x3, s23;
	_ =	sdelay $0x1  }
0x32: {  	s23 =	ssub.s32 s22, s23  }
0x33: {  	s22 =	sadd.s32 $0x1, s22;
	s23 =	sand.u32 $0xFF, s23  }
0x34: {  	p0 =	sne.s32 s22, $0x32;
	s23 =	smul.u32 $0x1F40, s23  }
.Ltmp0:
0x35: {  	_ = 	snop;
	(pc) =	sbr.rel @p0 .LBB2_2-.Ltmp0, $4  }
0x36: {  	_ = 	snop  }
0x37: {  	s23 =	sshrl.u32 s23, $0x2  }
0x38: {  	s21 =	sadd.s32 $0xFA, s21;
	s23 =	sadd.s32 $0x1880, s23  }
0x39: {  	[spmem:s2] =	stream.indirect.scatter.add.f32 [tilespmem:s11], [sflag:$0x2], $0x1, s23, s18, $0xb8;
	[tilespmem:$0x37C0] =	vst v63  }
0x3a: {  	_ =	swait.ge [sflag:s19], $0x7D0  }
0x3b: {  	s20 =	sadd.s32 $0x1, s20;
	[sflag:s19] =	ssyncset.done $0x0  }
0x3c: {  	p0 =	sne.s32 s20, s9;
	[sflag:s19] =	ssyncadd.s32 $0xFFFFF830  }
.Ltmp1:
0x3d: {  	[bflag:$0x0] =	sbarrier.arrive $0xFFFF;
	(pc) =	sbr.rel @p0 .LBB2_1-.Ltmp1, $4  }
0x3e: {  	[hbm:s8], [sflag:s13] =	dma.local [spmem:s14], $0x310  }
0x3f: {  	_ =	swait.ge [sflag:s12], $0x310  }
0x40: {  	[sflag:s12] =	ssyncset.done $0x0  }
0x41: {  	[sflag:s12] =	ssyncadd.s32 $0xFFFFFCF0  }
0x42: {  	_ =	sfence.sel $0x180000  }
0x43: {  	[bflag:$0x0] =	sbarrier.arrive $0xFFFF  }
0x44: {  	p0 =	sne.s32 s1, $0x0;
	_ =	strace $0x90000047  }
0x45: {  	s0 =	sadd.s32 @!p0 $0x100000, s0;
	[bflag:$0x2] =	sbarrier.arrive $0xFFFF  }
0x46: {  	[sflag:s0] =	ssyncadd.tile.s32 @!p0 $0x1;
	_ =	shalt  }
.Lfunc_end2:
_tile_overlayer_lowered:
.L_overlay_start_2:
0x47: {  	(tag) =	ssettag $0x2  }
0x48: {  	s0 =	rddreg [dreg:$0x0];
	s2 =	stileid.u32  }
0x49: {  	s1 =	rddreg [dreg:$0x1];
	p0 =	sne.s32 s2, $0x0  }
0x4a: {  	s3 =	rddreg [dreg:$0x2];
	[bflag:$0x3] =	sbarrier.arrive $0xFFFF;
	s2 =	simm.s32 @!p0 $0x1C03  }
0x4b: {  	[timem:s3], [sflag:s2] =	dma.local @!p0 [hbm:s0], s1  }
0x4c: {  	s0 =	simm.s32 @!p0 $0x3  }
0x4d: {  	_ =	swait.ge @!p0 [sflag:s0], s1  }
0x4e: {  	s1 =	ssub.s32 @!p0 $0x0, s1;
	[sflag:s0] =	ssyncset.done @!p0 $0x0  }
0x4f: {  	[sflag:s0] =	ssyncadd.s32 @!p0 s1  }
0x50: {  	[bflag:$0x3] =	sbarrier.arrive $0xFFFF  }
0x51: {  	_ =	shalt  }

</sc_bundles>
